<compile_context>
chip_gen: v7x
topology: tpu7x:2x2x1
jax: 0.10.2.dev20260603
libtpu: 0.0.44.dev20260713+nightly
codegen_flags: <defaults>
</compile_context>

<pallas_src>
import functools

import jax
import jax.numpy as jnp
from jax import lax
from jax.experimental import pallas as pl
from jax.experimental.pallas import tpu as pltpu
from jax.experimental.pallas import tpu_sc as plsc

_B = 1024
_L = 200
_EMB = 64
_FEAT_EMB = 16
_OUT_D = _EMB + 2 * _FEAT_EMB
_N = _B * _L

_INFO = plsc.get_sparse_core_info()
_NC = _INFO.num_cores
_NS = _INFO.num_subcores
_NW = _NC * _NS

_B_PER_W = _B // _NW
_CHUNK_B = 2
_CHUNK_ROWS = _CHUNK_B * _L
_NCHUNK = _B_PER_W // _CHUNK_B
_GR = ((0, 128), (128, 128), (256, 128), (384, 16))

_FVOCAB = 50

_mesh = plsc.VectorSubcoreMesh(core_axis_name="c", subcore_axis_name="s")


@functools.partial(
    pl.kernel,
    mesh=_mesh,
    compiler_params=pltpu.CompilerParams(use_tc_tiling_on_sc=False),
    out_type=jax.ShapeDtypeStruct((_B, _L, 128), jnp.float32),
    scratch_types=[
        pltpu.VMEM((2, _CHUNK_ROWS), jnp.int32),
        pltpu.VMEM((2, _CHUNK_ROWS), jnp.int32),
        pltpu.VMEM((2, _CHUNK_ROWS), jnp.int32),
        pltpu.VMEM((2, _CHUNK_ROWS, _EMB), jnp.float32),
        pltpu.VMEM((2, _CHUNK_ROWS, _FEAT_EMB), jnp.float32),
        pltpu.VMEM((2, _CHUNK_ROWS, _FEAT_EMB), jnp.float32),
        pltpu.SemaphoreType.DMA((2,)),
        pltpu.SemaphoreType.DMA((2,)),
    ],
)
def _embed(widx_hbm, f0idx_hbm, f1idx_hbm, wtab_hbm, f0tab_hbm, f1tab_hbm,
           out_hbm, widx_v, f0idx_v, f1idx_v, w_v, f0_v, f1_v, gsem, wsem):
    wid = lax.axis_index("s") * _NC + lax.axis_index("c")
    row_base = wid * _B_PER_W * _L
    b_base = wid * _B_PER_W

    def issue_chunk(ci, buf):
        row0 = row_base + ci * _CHUNK_ROWS
        pltpu.sync_copy(widx_hbm.at[pl.ds(row0, _CHUNK_ROWS)], widx_v.at[buf])
        pltpu.sync_copy(f0idx_hbm.at[pl.ds(row0, _CHUNK_ROWS)], f0idx_v.at[buf])
        pltpu.sync_copy(f1idx_hbm.at[pl.ds(row0, _CHUNK_ROWS)], f1idx_v.at[buf])
        for off, sz in _GR:
            rows = pl.ds(off, sz)
            pltpu.async_copy(
                wtab_hbm.at[widx_v.at[buf, rows]], w_v.at[buf, rows],
                gsem.at[buf])
            pltpu.async_copy(
                f0tab_hbm.at[f0idx_v.at[buf, rows]], f0_v.at[buf, rows],
                gsem.at[buf])
            pltpu.async_copy(
                f1tab_hbm.at[f1idx_v.at[buf, rows]], f1_v.at[buf, rows],
                gsem.at[buf])

    def wait_gathers(buf):
        for off, sz in _GR:
            rows = pl.ds(off, sz)
            pltpu.make_async_copy(
                wtab_hbm.at[widx_v.at[buf, rows]], w_v.at[buf, rows],
                gsem.at[buf]).wait()
            pltpu.make_async_copy(
                f0tab_hbm.at[f0idx_v.at[buf, rows]], f0_v.at[buf, rows],
                gsem.at[buf]).wait()
            pltpu.make_async_copy(
                f1tab_hbm.at[f1idx_v.at[buf, rows]], f1_v.at[buf, rows],
                gsem.at[buf]).wait()

    def issue_writes(ci, buf):
        for b in range(_CHUNK_B):
            rows = pl.ds(b * _L, _L)
            bo = b_base + ci * _CHUNK_B + b
            pltpu.async_copy(
                w_v.at[buf, rows], out_hbm.at[bo, slice(None), pl.ds(0, _EMB)],
                wsem.at[buf])
            pltpu.async_copy(
                f0_v.at[buf, rows],
                out_hbm.at[bo, slice(None), pl.ds(_EMB, _FEAT_EMB)],
                wsem.at[buf])
            pltpu.async_copy(
                f1_v.at[buf, rows],
                out_hbm.at[bo, slice(None), pl.ds(_EMB + _FEAT_EMB, _FEAT_EMB)],
                wsem.at[buf])

    def wait_writes(ci, buf):
        for b in range(_CHUNK_B):
            rows = pl.ds(b * _L, _L)
            bo = b_base + ci * _CHUNK_B + b
            pltpu.make_async_copy(
                w_v.at[buf, rows], out_hbm.at[bo, slice(None), pl.ds(0, _EMB)],
                wsem.at[buf]).wait()
            pltpu.make_async_copy(
                f0_v.at[buf, rows],
                out_hbm.at[bo, slice(None), pl.ds(_EMB, _FEAT_EMB)],
                wsem.at[buf]).wait()
            pltpu.make_async_copy(
                f1_v.at[buf, rows],
                out_hbm.at[bo, slice(None), pl.ds(_EMB + _FEAT_EMB, _FEAT_EMB)],
                wsem.at[buf]).wait()

    issue_chunk(0, 0)

    def body(ci):
        buf = lax.rem(ci, 2)
        nxt = lax.rem(ci + 1, 2)

        @pl.when(ci >= 1)
        def _():
            wait_writes(ci - 1, nxt)

        @pl.when(ci + 1 < _NCHUNK)
        def _():
            issue_chunk(ci + 1, nxt)

        wait_gathers(buf)
        issue_writes(ci, buf)

    pl.loop(0, _NCHUNK)(body)
    wait_writes(_NCHUNK - 1, (_NCHUNK - 1) % 2)


def kernel(word_inputs, feature_inputs, word_seq_lengths, char_inputs,
           char_seq_lengths, char_seq_recover, batch_word_text,
           word_table, feat_table0, feat_table1):
    widx = word_inputs.astype(jnp.int32).reshape(_N)
    bias = (jnp.arange(_N, dtype=jnp.int32) // (_B_PER_W * _L)) * _FVOCAB
    f0idx = feature_inputs[0].astype(jnp.int32).reshape(_N) + bias
    f1idx = feature_inputs[1].astype(jnp.int32).reshape(_N) + bias
    f0rep = jnp.tile(feat_table0, (_NW, 1))
    f1rep = jnp.tile(feat_table1, (_NW, 1))
    out = _embed(widx, f0idx, f1idx, word_table, f0rep, f1rep)
    return out[:, :, :_OUT_D]

# --- scband reference (transcript-rebuilt; emitter-appended) ---
"""Pipeline reference for scband-word-rep-34041910788108 (READ-ONLY COPY).

The authoritative reference and input builder live on the scoring server;
editing this copy changes nothing except your own understanding.
"""

import jax, jax.numpy as jnp
import numpy as np

B = 1024
L = 200
VOCAB = 1000000
EMB = 64
FEAT_VOCAB = 50
FEAT_EMB = 16


def setup_inputs(seed: int = 0) -> dict:
    key = jax.random.key(seed)
    ks = jax.random.split(key, 8)
    word_inputs = jax.random.randint(ks[0], (B, L), 0, VOCAB)
    feature_inputs = jax.random.randint(ks[1], (2, B, L), 0, FEAT_VOCAB)
    word_seq_lengths = jnp.full((B,), L, dtype=jnp.int32)
    char_inputs = jnp.zeros((1, 1), dtype=jnp.int32)
    char_seq_lengths = jnp.ones((1, 1), dtype=jnp.int32)
    char_seq_recover = jnp.zeros((1,), dtype=jnp.int32)
    batch_word_text = jnp.zeros((1,), dtype=jnp.int32)
    # learned parameters (random_embedding init: uniform(-sqrt(3/d), sqrt(3/d)))
    sw = float(np.sqrt(3.0 / EMB))
    sf = float(np.sqrt(3.0 / FEAT_EMB))
    word_table = jax.random.uniform(ks[2], (VOCAB, EMB), minval=-sw, maxval=sw, dtype=jnp.float32)
    feat_table0 = jax.random.uniform(ks[3], (FEAT_VOCAB, FEAT_EMB), minval=-sf, maxval=sf, dtype=jnp.float32)
    feat_table1 = jax.random.uniform(ks[4], (FEAT_VOCAB, FEAT_EMB), minval=-sf, maxval=sf, dtype=jnp.float32)
    return {
        "word_inputs": word_inputs,
        "feature_inputs": feature_inputs,
        "word_seq_lengths": word_seq_lengths,
        "char_inputs": char_inputs,
        "char_seq_lengths": char_seq_lengths,
        "char_seq_recover": char_seq_recover,
        "batch_word_text": batch_word_text,
        "word_table": word_table,
        "feat_table0": feat_table0,
        "feat_table1": feat_table1,
    }


def reference(word_inputs, feature_inputs, word_seq_lengths, char_inputs,
              char_seq_lengths, char_seq_recover, batch_word_text,
              word_table, feat_table0, feat_table1):
    # WordRep.forward with use_word_emb=True, use_char=False, no transformer,
    # sentence_classification=False, feature_num=2.
    word_embs = jnp.take(word_table, word_inputs, axis=0)          # (B, L, EMB)
    f0 = jnp.take(feat_table0, feature_inputs[0], axis=0)          # (B, L, FEAT_EMB)
    f1 = jnp.take(feat_table1, feature_inputs[1], axis=0)          # (B, L, FEAT_EMB)
    word_represent = jnp.concatenate([word_embs, f0, f1], axis=2)  # (B, L, EMB+2*FEAT_EMB)
    # nn.Dropout in eval mode is identity
    return word_represent

if __name__ == "__main__":
    import jax
    _d = setup_inputs()
    print(jax.jit(kernel)(*tuple(_d.values())))

</pallas_src>

<mosaic_0001>
#map = affine_map<(d0, d1) -> (0)>
#map1 = affine_map<(d0, d1) -> (0, 0)>
#map2 = affine_map<(d0, d1) -> (0, 0, 0)>
module attributes {stable_mosaic.version = 14 : i64} {
  func.func @_embed(%arg0: i32, %arg1: i32, %arg2: memref<204800xi32, #tpu.memory_space<hbm>>, %arg3: memref<204800xi32, #tpu.memory_space<hbm>>, %arg4: memref<204800xi32, #tpu.memory_space<hbm>>, %arg5: memref<1000000x64xf32, #tpu.memory_space<hbm>>, %arg6: memref<1600x16xf32, #tpu.memory_space<hbm>>, %arg7: memref<1600x16xf32, #tpu.memory_space<hbm>>, %arg8: memref<1024x200x128xf32, #tpu.memory_space<hbm>>, %arg9: memref<2x400xi32, #tpu.memory_space<vmem>>, %arg10: memref<2x400xi32, #tpu.memory_space<vmem>>, %arg11: memref<2x400xi32, #tpu.memory_space<vmem>>, %arg12: memref<2x400x64xf32, #tpu.memory_space<vmem>>, %arg13: memref<2x400x16xf32, #tpu.memory_space<vmem>>, %arg14: memref<2x400x16xf32, #tpu.memory_space<vmem>>, %arg15: memref<2x!tpu.dma_semaphore, #tpu.memory_space<semaphore_mem>>, %arg16: memref<2x!tpu.dma_semaphore, #tpu.memory_space<semaphore_mem>>) attributes {dimension_semantics = [#tpu.dimension_semantics<core_parallel>, #tpu.dimension_semantics<subcore_parallel>], iteration_bounds = array<i64: 2, 16>, scalar_prefetch = 0 : i64, scratch_operands = 8 : i64, tpu.core_type = #tpu.core_type<sc_vector_subcore>, window_params = [{transform_indices = #map}, {transform_indices = #map}, {transform_indices = #map}, {transform_indices = #map1}, {transform_indices = #map1}, {transform_indices = #map1}, {transform_indices = #map2}]} {
    %mul3A = arith.constant 2 : i32
    %mul3A_0 = arith.muli %arg1, %mul3A : i32
    %add3A = arith.addi %mul3A_0, %arg0 : i32
    %mul3A_1 = arith.constant 32 : i32
    %mul3A_2 = arith.muli %add3A, %mul3A_1 : i32
    %mul3A_3 = arith.constant 200 : i32
    %mul3A_4 = arith.muli %mul3A_2, %mul3A_3 : i32
    %mul3A_5 = arith.constant 32 : i32
    %mul3A_6 = arith.muli %add3A, %mul3A_5 : i32
    %add3A_7 = arith.constant 0 : i32
    %add3A_8 = arith.addi %mul3A_4, %add3A_7 : i32
    %run_scoped3A = arith.constant 0 : i32
    "tpu.region"() ({
      %run_scoped3A_321 = tpu.sem_alloc : memref<!tpu.dma_semaphore, #tpu.memory_space<semaphore_mem>>
      %dma_start3A_322 = arith.constant 0 : i32
      %dma_start3A_323 = tpu.memref_slice %arg9[%run_scoped3A, %dma_start3A_322] : memref<2x400xi32, #tpu.memory_space<vmem>> -> memref<1x400xi32, #tpu.memory_space<vmem>>
      %dma_start3A_324 = tpu.memref_squeeze %dma_start3A_323 : memref<1x400xi32, #tpu.memory_space<vmem>> -> memref<400xi32, #tpu.memory_space<vmem>>
      %dma_start3A_325 = tpu.memref_slice %arg2[%add3A_8] : memref<204800xi32, #tpu.memory_space<hbm>> -> memref<400xi32, #tpu.memory_space<hbm>>
      %dma_start3A_326 = arith.constant 0 : i32
      %dma_start3A_327 = tpu.memref_slice %arg9[%run_scoped3A, %dma_start3A_326] : memref<2x400xi32, #tpu.memory_space<vmem>> -> memref<1x400xi32, #tpu.memory_space<vmem>>
      %dma_start3A_328 = tpu.memref_squeeze %dma_start3A_327 : memref<1x400xi32, #tpu.memory_space<vmem>> -> memref<400xi32, #tpu.memory_space<vmem>>
      %dma_start3A_329 = tpu.memref_slice %arg2[%add3A_8] : memref<204800xi32, #tpu.memory_space<hbm>> -> memref<400xi32, #tpu.memory_space<hbm>>
      tpu.enqueue_dma source(%dma_start3A_329 : memref<400xi32, #tpu.memory_space<hbm>>) target(%dma_start3A_328 : memref<400xi32, #tpu.memory_space<vmem>>) target_semaphore(%run_scoped3A_321 : memref<!tpu.dma_semaphore, #tpu.memory_space<semaphore_mem>>)
      %dma_wait3A_330 = arith.constant 0 : i32
      %dma_wait3A_331 = tpu.memref_slice %arg9[%run_scoped3A, %dma_wait3A_330] : memref<2x400xi32, #tpu.memory_space<vmem>> -> memref<1x400xi32, #tpu.memory_space<vmem>>
      %dma_wait3A_332 = tpu.memref_squeeze %dma_wait3A_331 : memref<1x400xi32, #tpu.memory_space<vmem>> -> memref<400xi32, #tpu.memory_space<vmem>>
      %dma_wait3A_333 = tpu.memref_slice %arg2[%add3A_8] : memref<204800xi32, #tpu.memory_space<hbm>> -> memref<400xi32, #tpu.memory_space<hbm>>
      %dma_wait3A_334 = arith.constant 0 : i32
      %dma_wait3A_335 = tpu.memref_slice %arg9[%run_scoped3A, %dma_wait3A_334] : memref<2x400xi32, #tpu.memory_space<vmem>> -> memref<1x400xi32, #tpu.memory_space<vmem>>
      %dma_wait3A_336 = tpu.memref_squeeze %dma_wait3A_335 : memref<1x400xi32, #tpu.memory_space<vmem>> -> memref<400xi32, #tpu.memory_space<vmem>>
      %dma_wait3A_337 = tpu.memref_slice %arg2[%add3A_8] : memref<204800xi32, #tpu.memory_space<hbm>> -> memref<400xi32, #tpu.memory_space<hbm>>
      tpu.wait_dma2 semaphore(%run_scoped3A_321 : memref<!tpu.dma_semaphore, #tpu.memory_space<semaphore_mem>>) src(%dma_wait3A_337 : memref<400xi32, #tpu.memory_space<hbm>>) dst(%dma_wait3A_336 : memref<400xi32, #tpu.memory_space<vmem>>)
      tpu.yield
    }) : () -> ()
    %run_scoped3A_9 = arith.constant 0 : i32
    "tpu.region"() ({
      %run_scoped3A_321 = tpu.sem_alloc : memref<!tpu.dma_semaphore, #tpu.memory_space<semaphore_mem>>
      %dma_start3A_322 = arith.constant 0 : i32
      %dma_start3A_323 = tpu.memref_slice %arg10[%run_scoped3A_9, %dma_start3A_322] : memref<2x400xi32, #tpu.memory_space<vmem>> -> memref<1x400xi32, #tpu.memory_space<vmem>>
      %dma_start3A_324 = tpu.memref_squeeze %dma_start3A_323 : memref<1x400xi32, #tpu.memory_space<vmem>> -> memref<400xi32, #tpu.memory_space<vmem>>
      %dma_start3A_325 = tpu.memref_slice %arg3[%add3A_8] : memref<204800xi32, #tpu.memory_space<hbm>> -> memref<400xi32, #tpu.memory_space<hbm>>
      %dma_start3A_326 = arith.constant 0 : i32
      %dma_start3A_327 = tpu.memref_slice %arg10[%run_scoped3A_9, %dma_start3A_326] : memref<2x400xi32, #tpu.memory_space<vmem>> -> memref<1x400xi32, #tpu.memory_space<vmem>>
      %dma_start3A_328 = tpu.memref_squeeze %dma_start3A_327 : memref<1x400xi32, #tpu.memory_space<vmem>> -> memref<400xi32, #tpu.memory_space<vmem>>
      %dma_start3A_329 = tpu.memref_slice %arg3[%add3A_8] : memref<204800xi32, #tpu.memory_space<hbm>> -> memref<400xi32, #tpu.memory_space<hbm>>
      tpu.enqueue_dma source(%dma_start3A_329 : memref<400xi32, #tpu.memory_space<hbm>>) target(%dma_start3A_328 : memref<400xi32, #tpu.memory_space<vmem>>) target_semaphore(%run_scoped3A_321 : memref<!tpu.dma_semaphore, #tpu.memory_space<semaphore_mem>>)
      %dma_wait3A_330 = arith.constant 0 : i32
      %dma_wait3A_331 = tpu.memref_slice %arg10[%run_scoped3A_9, %dma_wait3A_330] : memref<2x400xi32, #tpu.memory_space<vmem>> -> memref<1x400xi32, #tpu.memory_space<vmem>>
      %dma_wait3A_332 = tpu.memref_squeeze %dma_wait3A_331 : memref<1x400xi32, #tpu.memory_space<vmem>> -> memref<400xi32, #tpu.memory_space<vmem>>
      %dma_wait3A_333 = tpu.memref_slice %arg3[%add3A_8] : memref<204800xi32, #tpu.memory_space<hbm>> -> memref<400xi32, #tpu.memory_space<hbm>>
      %dma_wait3A_334 = arith.constant 0 : i32
      %dma_wait3A_335 = tpu.memref_slice %arg10[%run_scoped3A_9, %dma_wait3A_334] : memref<2x400xi32, #tpu.memory_space<vmem>> -> memref<1x400xi32, #tpu.memory_space<vmem>>
      %dma_wait3A_336 = tpu.memref_squeeze %dma_wait3A_335 : memref<1x400xi32, #tpu.memory_space<vmem>> -> memref<400xi32, #tpu.memory_space<vmem>>
      %dma_wait3A_337 = tpu.memref_slice %arg3[%add3A_8] : memref<204800xi32, #tpu.memory_space<hbm>> -> memref<400xi32, #tpu.memory_space<hbm>>
      tpu.wait_dma2 semaphore(%run_scoped3A_321 : memref<!tpu.dma_semaphore, #tpu.memory_space<semaphore_mem>>) src(%dma_wait3A_337 : memref<400xi32, #tpu.memory_space<hbm>>) dst(%dma_wait3A_336 : memref<400xi32, #tpu.memory_space<vmem>>)
      tpu.yield
    }) : () -> ()
    %run_scoped3A_10 = arith.constant 0 : i32
    "tpu.region"() ({
      %run_scoped3A_321 = tpu.sem_alloc : memref<!tpu.dma_semaphore, #tpu.memory_space<semaphore_mem>>
      %dma_start3A_322 = arith.constant 0 : i32
      %dma_start3A_323 = tpu.memref_slice %arg11[%run_scoped3A_10, %dma_start3A_322] : memref<2x400xi32, #tpu.memory_space<vmem>> -> memref<1x400xi32, #tpu.memory_space<vmem>>
      %dma_start3A_324 = tpu.memref_squeeze %dma_start3A_323 : memref<1x400xi32, #tpu.memory_space<vmem>> -> memref<400xi32, #tpu.memory_space<vmem>>
      %dma_start3A_325 = tpu.memref_slice %arg4[%add3A_8] : memref<204800xi32, #tpu.memory_space<hbm>> -> memref<400xi32, #tpu.memory_space<hbm>>
      %dma_start3A_326 = arith.constant 0 : i32
      %dma_start3A_327 = tpu.memref_slice %arg11[%run_scoped3A_10, %dma_start3A_326] : memref<2x400xi32, #tpu.memory_space<vmem>> -> memref<1x400xi32, #tpu.memory_space<vmem>>
      %dma_start3A_328 = tpu.memref_squeeze %dma_start3A_327 : memref<1x400xi32, #tpu.memory_space<vmem>> -> memref<400xi32, #tpu.memory_space<vmem>>
      %dma_start3A_329 = tpu.memref_slice %arg4[%add3A_8] : memref<204800xi32, #tpu.memory_space<hbm>> -> memref<400xi32, #tpu.memory_space<hbm>>
      tpu.enqueue_dma source(%dma_start3A_329 : memref<400xi32, #tpu.memory_space<hbm>>) target(%dma_start3A_328 : memref<400xi32, #tpu.memory_space<vmem>>) target_semaphore(%run_scoped3A_321 : memref<!tpu.dma_semaphore, #tpu.memory_space<semaphore_mem>>)
      %dma_wait3A_330 = arith.constant 0 : i32
      %dma_wait3A_331 = tpu.memref_slice %arg11[%run_scoped3A_10, %dma_wait3A_330] : memref<2x400xi32, #tpu.memory_space<vmem>> -> memref<1x400xi32, #tpu.memory_space<vmem>>
      %dma_wait3A_332 = tpu.memref_squeeze %dma_wait3A_331 : memref<1x400xi32, #tpu.memory_space<vmem>> -> memref<400xi32, #tpu.memory_space<vmem>>
      %dma_wait3A_333 = tpu.memref_slice %arg4[%add3A_8] : memref<204800xi32, #tpu.memory_space<hbm>> -> memref<400xi32, #tpu.memory_space<hbm>>
      %dma_wait3A_334 = arith.constant 0 : i32
      %dma_wait3A_335 = tpu.memref_slice %arg11[%run_scoped3A_10, %dma_wait3A_334] : memref<2x400xi32, #tpu.memory_space<vmem>> -> memref<1x400xi32, #tpu.memory_space<vmem>>
      %dma_wait3A_336 = tpu.memref_squeeze %dma_wait3A_335 : memref<1x400xi32, #tpu.memory_space<vmem>> -> memref<400xi32, #tpu.memory_space<vmem>>
      %dma_wait3A_337 = tpu.memref_slice %arg4[%add3A_8] : memref<204800xi32, #tpu.memory_space<hbm>> -> memref<400xi32, #tpu.memory_space<hbm>>
      tpu.wait_dma2 semaphore(%run_scoped3A_321 : memref<!tpu.dma_semaphore, #tpu.memory_space<semaphore_mem>>) src(%dma_wait3A_337 : memref<400xi32, #tpu.memory_space<hbm>>) dst(%dma_wait3A_336 : memref<400xi32, #tpu.memory_space<vmem>>)
      tpu.yield
    }) : () -> ()
    %dma_start3A = arith.constant 0 : i32
    %dma_start3A_11 = arith.constant 0 : i32
    %dma_start3A_12 = arith.constant 0 : i32
    %dma_start3A_13 = arith.constant 0 : i32
    %dma_start3A_14 = arith.constant 0 : i32
    %dma_start3A_15 = tpu.memref_slice %arg12[%dma_start3A_11, %dma_start3A_13, %dma_start3A_14] : memref<2x400x64xf32, #tpu.memory_space<vmem>> -> memref<1x128x64xf32, #tpu.memory_space<vmem>>
    %dma_start3A_16 = tpu.memref_squeeze %dma_start3A_15 : memref<1x128x64xf32, #tpu.memory_space<vmem>> -> memref<128x64xf32, #tpu.memory_space<vmem>>
    %dma_start3A_17 = arith.constant 0 : i32
    %dma_start3A_18 = tpu.memref_slice %arg9[%dma_start3A, %dma_start3A_17] : memref<2x400xi32, #tpu.memory_space<vmem>> -> memref<1x128xi32, #tpu.memory_space<vmem>>
    %dma_start3A_19 = tpu.memref_squeeze %dma_start3A_18 : memref<1x128xi32, #tpu.memory_space<vmem>> -> memref<128xi32, #tpu.memory_space<vmem>>
    %dma_start3A_20 = arith.constant 0 : i32
    %dma_start3A_21 = arith.constant 0 : i32
    %dma_start3A_22 = tpu.memref_slice %arg5[%dma_start3A_20, %dma_start3A_21] : memref<1000000x64xf32, #tpu.memory_space<hbm>> -> memref<1000000x64xf32, #tpu.memory_space<hbm>>
    %dma_start3A_23 = tpu.memref_slice %arg15[%dma_start3A_12] : memref<2x!tpu.dma_semaphore, #tpu.memory_space<semaphore_mem>> -> memref<1x!tpu.dma_semaphore, #tpu.memory_space<semaphore_mem>>
    %dma_start3A_24 = tpu.memref_squeeze %dma_start3A_23 : memref<1x!tpu.dma_semaphore, #tpu.memory_space<semaphore_mem>> -> memref<!tpu.dma_semaphore, #tpu.memory_space<semaphore_mem>>
    tpu.enqueue_indirect_dma source(%dma_start3A_22 : memref<1000000x64xf32, #tpu.memory_space<hbm>>) target(%dma_start3A_16 : memref<128x64xf32, #tpu.memory_space<vmem>>) offsets(%dma_start3A_19 : memref<128xi32, #tpu.memory_space<vmem>>) semaphore(%dma_start3A_24 : memref<!tpu.dma_semaphore, #tpu.memory_space<semaphore_mem>>)
    %dma_start3A_25 = arith.constant 0 : i32
    %dma_start3A_26 = arith.constant 0 : i32
    %dma_start3A_27 = arith.constant 0 : i32
    %dma_start3A_28 = arith.constant 0 : i32
    %dma_start3A_29 = arith.constant 0 : i32
    %dma_start3A_30 = tpu.memref_slice %arg13[%dma_start3A_26, %dma_start3A_28, %dma_start3A_29] : memref<2x400x16xf32, #tpu.memory_space<vmem>> -> memref<1x128x16xf32, #tpu.memory_space<vmem>>
    %dma_start3A_31 = tpu.memref_squeeze %dma_start3A_30 : memref<1x128x16xf32, #tpu.memory_space<vmem>> -> memref<128x16xf32, #tpu.memory_space<vmem>>
    %dma_start3A_32 = arith.constant 0 : i32
    %dma_start3A_33 = tpu.memref_slice %arg10[%dma_start3A_25, %dma_start3A_32] : memref<2x400xi32, #tpu.memory_space<vmem>> -> memref<1x128xi32, #tpu.memory_space<vmem>>
    %dma_start3A_34 = tpu.memref_squeeze %dma_start3A_33 : memref<1x128xi32, #tpu.memory_space<vmem>> -> memref<128xi32, #tpu.memory_space<vmem>>
    %dma_start3A_35 = arith.constant 0 : i32
    %dma_start3A_36 = arith.constant 0 : i32
    %dma_start3A_37 = tpu.memref_slice %arg6[%dma_start3A_35, %dma_start3A_36] : memref<1600x16xf32, #tpu.memory_space<hbm>> -> memref<1600x16xf32, #tpu.memory_space<hbm>>
    %dma_start3A_38 = tpu.memref_slice %arg15[%dma_start3A_27] : memref<2x!tpu.dma_semaphore, #tpu.memory_space<semaphore_mem>> -> memref<1x!tpu.dma_semaphore, #tpu.memory_space<semaphore_mem>>
    %dma_start3A_39 = tpu.memref_squeeze %dma_start3A_38 : memref<1x!tpu.dma_semaphore, #tpu.memory_space<semaphore_mem>> -> memref<!tpu.dma_semaphore, #tpu.memory_space<semaphore_mem>>
    tpu.enqueue_indirect_dma source(%dma_start3A_37 : memref<1600x16xf32, #tpu.memory_space<hbm>>) target(%dma_start3A_31 : memref<128x16xf32, #tpu.memory_space<vmem>>) offsets(%dma_start3A_34 : memref<128xi32, #tpu.memory_space<vmem>>) semaphore(%dma_start3A_39 : memref<!tpu.dma_semaphore, #tpu.memory_space<semaphore_mem>>)
    %dma_start3A_40 = arith.constant 0 : i32
    %dma_start3A_41 = arith.constant 0 : i32
    %dma_start3A_42 = arith.constant 0 : i32
    %dma_start3A_43 = arith.constant 0 : i32
    %dma_start3A_44 = arith.constant 0 : i32
    %dma_start3A_45 = tpu.memref_slice %arg14[%dma_start3A_41, %dma_start3A_43, %dma_start3A_44] : memref<2x400x16xf32, #tpu.memory_space<vmem>> -> memref<1x128x16xf32, #tpu.memory_space<vmem>>
    %dma_start3A_46 = tpu.memref_squeeze %dma_start3A_45 : memref<1x128x16xf32, #tpu.memory_space<vmem>> -> memref<128x16xf32, #tpu.memory_space<vmem>>
    %dma_start3A_47 = arith.constant 0 : i32
    %dma_start3A_48 = tpu.memref_slice %arg11[%dma_start3A_40, %dma_start3A_47] : memref<2x400xi32, #tpu.memory_space<vmem>> -> memref<1x128xi32, #tpu.memory_space<vmem>>
    %dma_start3A_49 = tpu.memref_squeeze %dma_start3A_48 : memref<1x128xi32, #tpu.memory_space<vmem>> -> memref<128xi32, #tpu.memory_space<vmem>>
    %dma_start3A_50 = arith.constant 0 : i32
    %dma_start3A_51 = arith.constant 0 : i32
    %dma_start3A_52 = tpu.memref_slice %arg7[%dma_start3A_50, %dma_start3A_51] : memref<1600x16xf32, #tpu.memory_space<hbm>> -> memref<1600x16xf32, #tpu.memory_space<hbm>>
    %dma_start3A_53 = tpu.memref_slice %arg15[%dma_start3A_42] : memref<2x!tpu.dma_semaphore, #tpu.memory_space<semaphore_mem>> -> memref<1x!tpu.dma_semaphore, #tpu.memory_space<semaphore_mem>>
    %dma_start3A_54 = tpu.memref_squeeze %dma_start3A_53 : memref<1x!tpu.dma_semaphore, #tpu.memory_space<semaphore_mem>> -> memref<!tpu.dma_semaphore, #tpu.memory_space<semaphore_mem>>
    tpu.enqueue_indirect_dma source(%dma_start3A_52 : memref<1600x16xf32, #tpu.memory_space<hbm>>) target(%dma_start3A_46 : memref<128x16xf32, #tpu.memory_space<vmem>>) offsets(%dma_start3A_49 : memref<128xi32, #tpu.memory_space<vmem>>) semaphore(%dma_start3A_54 : memref<!tpu.dma_semaphore, #tpu.memory_space<semaphore_mem>>)
    %dma_start3A_55 = arith.constant 0 : i32
    %dma_start3A_56 = arith.constant 0 : i32
    %dma_start3A_57 = arith.constant 0 : i32
    %dma_start3A_58 = arith.constant 128 : i32
    %dma_start3A_59 = arith.constant 0 : i32
    %dma_start3A_60 = tpu.memref_slice %arg12[%dma_start3A_56, %dma_start3A_58, %dma_start3A_59] : memref<2x400x64xf32, #tpu.memory_space<vmem>> -> memref<1x128x64xf32, #tpu.memory_space<vmem>>
    %dma_start3A_61 = tpu.memref_squeeze %dma_start3A_60 : memref<1x128x64xf32, #tpu.memory_space<vmem>> -> memref<128x64xf32, #tpu.memory_space<vmem>>
    %dma_start3A_62 = arith.constant 128 : i32
    %dma_start3A_63 = tpu.memref_slice %arg9[%dma_start3A_55, %dma_start3A_62] : memref<2x400xi32, #tpu.memory_space<vmem>> -> memref<1x128xi32, #tpu.memory_space<vmem>>
    %dma_start3A_64 = tpu.memref_squeeze %dma_start3A_63 : memref<1x128xi32, #tpu.memory_space<vmem>> -> memref<128xi32, #tpu.memory_space<vmem>>
    %dma_start3A_65 = arith.constant 0 : i32
    %dma_start3A_66 = arith.constant 0 : i32
    %dma_start3A_67 = tpu.memref_slice %arg5[%dma_start3A_65, %dma_start3A_66] : memref<1000000x64xf32, #tpu.memory_space<hbm>> -> memref<1000000x64xf32, #tpu.memory_space<hbm>>
    %dma_start3A_68 = tpu.memref_slice %arg15[%dma_start3A_57] : memref<2x!tpu.dma_semaphore, #tpu.memory_space<semaphore_mem>> -> memref<1x!tpu.dma_semaphore, #tpu.memory_space<semaphore_mem>>
    %dma_start3A_69 = tpu.memref_squeeze %dma_start3A_68 : memref<1x!tpu.dma_semaphore, #tpu.memory_space<semaphore_mem>> -> memref<!tpu.dma_semaphore, #tpu.memory_space<semaphore_mem>>
    tpu.enqueue_indirect_dma source(%dma_start3A_67 : memref<1000000x64xf32, #tpu.memory_space<hbm>>) target(%dma_start3A_61 : memref<128x64xf32, #tpu.memory_space<vmem>>) offsets(%dma_start3A_64 : memref<128xi32, #tpu.memory_space<vmem>>) semaphore(%dma_start3A_69 : memref<!tpu.dma_semaphore, #tpu.memory_space<semaphore_mem>>)
    %dma_start3A_70 = arith.constant 0 : i32
    %dma_start3A_71 = arith.constant 0 : i32
    %dma_start3A_72 = arith.constant 0 : i32
    %dma_start3A_73 = arith.constant 128 : i32
    %dma_start3A_74 = arith.constant 0 : i32
    %dma_start3A_75 = tpu.memref_slice %arg13[%dma_start3A_71, %dma_start3A_73, %dma_start3A_74] : memref<2x400x16xf32, #tpu.memory_space<vmem>> -> memref<1x128x16xf32, #tpu.memory_space<vmem>>
    %dma_start3A_76 = tpu.memref_squeeze %dma_start3A_75 : memref<1x128x16xf32, #tpu.memory_space<vmem>> -> memref<128x16xf32, #tpu.memory_space<vmem>>
    %dma_start3A_77 = arith.constant 128 : i32
    %dma_start3A_78 = tpu.memref_slice %arg10[%dma_start3A_70, %dma_start3A_77] : memref<2x400xi32, #tpu.memory_space<vmem>> -> memref<1x128xi32, #tpu.memory_space<vmem>>
    %dma_start3A_79 = tpu.memref_squeeze %dma_start3A_78 : memref<1x128xi32, #tpu.memory_space<vmem>> -> memref<128xi32, #tpu.memory_space<vmem>>
    %dma_start3A_80 = arith.constant 0 : i32
    %dma_start3A_81 = arith.constant 0 : i32
    %dma_start3A_82 = tpu.memref_slice %arg6[%dma_start3A_80, %dma_start3A_81] : memref<1600x16xf32, #tpu.memory_space<hbm>> -> memref<1600x16xf32, #tpu.memory_space<hbm>>
    %dma_start3A_83 = tpu.memref_slice %arg15[%dma_start3A_72] : memref<2x!tpu.dma_semaphore, #tpu.memory_space<semaphore_mem>> -> memref<1x!tpu.dma_semaphore, #tpu.memory_space<semaphore_mem>>
    %dma_start3A_84 = tpu.memref_squeeze %dma_start3A_83 : memref<1x!tpu.dma_semaphore, #tpu.memory_space<semaphore_mem>> -> memref<!tpu.dma_semaphore, #tpu.memory_space<semaphore_mem>>
    tpu.enqueue_indirect_dma source(%dma_start3A_82 : memref<1600x16xf32, #tpu.memory_space<hbm>>) target(%dma_start3A_76 : memref<128x16xf32, #tpu.memory_space<vmem>>) offsets(%dma_start3A_79 : memref<128xi32, #tpu.memory_space<vmem>>) semaphore(%dma_start3A_84 : memref<!tpu.dma_semaphore, #tpu.memory_space<semaphore_mem>>)
    %dma_start3A_85 = arith.constant 0 : i32
    %dma_start3A_86 = arith.constant 0 : i32
    %dma_start3A_87 = arith.constant 0 : i32
    %dma_start3A_88 = arith.constant 128 : i32
    %dma_start3A_89 = arith.constant 0 : i32
    %dma_start3A_90 = tpu.memref_slice %arg14[%dma_start3A_86, %dma_start3A_88, %dma_start3A_89] : memref<2x400x16xf32, #tpu.memory_space<vmem>> -> memref<1x128x16xf32, #tpu.memory_space<vmem>>
    %dma_start3A_91 = tpu.memref_squeeze %dma_start3A_90 : memref<1x128x16xf32, #tpu.memory_space<vmem>> -> memref<128x16xf32, #tpu.memory_space<vmem>>
    %dma_start3A_92 = arith.constant 128 : i32
    %dma_start3A_93 = tpu.memref_slice %arg11[%dma_start3A_85, %dma_start3A_92] : memref<2x400xi32, #tpu.memory_space<vmem>> -> memref<1x128xi32, #tpu.memory_space<vmem>>
    %dma_start3A_94 = tpu.memref_squeeze %dma_start3A_93 : memref<1x128xi32, #tpu.memory_space<vmem>> -> memref<128xi32, #tpu.memory_space<vmem>>
    %dma_start3A_95 = arith.constant 0 : i32
    %dma_start3A_96 = arith.constant 0 : i32
    %dma_start3A_97 = tpu.memref_slice %arg7[%dma_start3A_95, %dma_start3A_96] : memref<1600x16xf32, #tpu.memory_space<hbm>> -> memref<1600x16xf32, #tpu.memory_space<hbm>>
    %dma_start3A_98 = tpu.memref_slice %arg15[%dma_start3A_87] : memref<2x!tpu.dma_semaphore, #tpu.memory_space<semaphore_mem>> -> memref<1x!tpu.dma_semaphore, #tpu.memory_space<semaphore_mem>>
    %dma_start3A_99 = tpu.memref_squeeze %dma_start3A_98 : memref<1x!tpu.dma_semaphore, #tpu.memory_space<semaphore_mem>> -> memref<!tpu.dma_semaphore, #tpu.memory_space<semaphore_mem>>
    tpu.enqueue_indirect_dma source(%dma_start3A_97 : memref<1600x16xf32, #tpu.memory_space<hbm>>) target(%dma_start3A_91 : memref<128x16xf32, #tpu.memory_space<vmem>>) offsets(%dma_start3A_94 : memref<128xi32, #tpu.memory_space<vmem>>) semaphore(%dma_start3A_99 : memref<!tpu.dma_semaphore, #tpu.memory_space<semaphore_mem>>)
    %dma_start3A_100 = arith.constant 0 : i32
    %dma_start3A_101 = arith.constant 0 : i32
    %dma_start3A_102 = arith.constant 0 : i32
    %dma_start3A_103 = arith.constant 256 : i32
    %dma_start3A_104 = arith.constant 0 : i32
    %dma_start3A_105 = tpu.memref_slice %arg12[%dma_start3A_101, %dma_start3A_103, %dma_start3A_104] : memref<2x400x64xf32, #tpu.memory_space<vmem>> -> memref<1x128x64xf32, #tpu.memory_space<vmem>>
    %dma_start3A_106 = tpu.memref_squeeze %dma_start3A_105 : memref<1x128x64xf32, #tpu.memory_space<vmem>> -> memref<128x64xf32, #tpu.memory_space<vmem>>
    %dma_start3A_107 = arith.constant 256 : i32
    %dma_start3A_108 = tpu.memref_slice %arg9[%dma_start3A_100, %dma_start3A_107] : memref<2x400xi32, #tpu.memory_space<vmem>> -> memref<1x128xi32, #tpu.memory_space<vmem>>
    %dma_start3A_109 = tpu.memref_squeeze %dma_start3A_108 : memref<1x128xi32, #tpu.memory_space<vmem>> -> memref<128xi32, #tpu.memory_space<vmem>>
    %dma_start3A_110 = arith.constant 0 : i32
    %dma_start3A_111 = arith.constant 0 : i32
    %dma_start3A_112 = tpu.memref_slice %arg5[%dma_start3A_110, %dma_start3A_111] : memref<1000000x64xf32, #tpu.memory_space<hbm>> -> memref<1000000x64xf32, #tpu.memory_space<hbm>>
    %dma_start3A_113 = tpu.memref_slice %arg15[%dma_start3A_102] : memref<2x!tpu.dma_semaphore, #tpu.memory_space<semaphore_mem>> -> memref<1x!tpu.dma_semaphore, #tpu.memory_space<semaphore_mem>>
    %dma_start3A_114 = tpu.memref_squeeze %dma_start3A_113 : memref<1x!tpu.dma_semaphore, #tpu.memory_space<semaphore_mem>> -> memref<!tpu.dma_semaphore, #tpu.memory_space<semaphore_mem>>
    tpu.enqueue_indirect_dma source(%dma_start3A_112 : memref<1000000x64xf32, #tpu.memory_space<hbm>>) target(%dma_start3A_106 : memref<128x64xf32, #tpu.memory_space<vmem>>) offsets(%dma_start3A_109 : memref<128xi32, #tpu.memory_space<vmem>>) semaphore(%dma_start3A_114 : memref<!tpu.dma_semaphore, #tpu.memory_space<semaphore_mem>>)
    %dma_start3A_115 = arith.constant 0 : i32
    %dma_start3A_116 = arith.constant 0 : i32
    %dma_start3A_117 = arith.constant 0 : i32
    %dma_start3A_118 = arith.constant 256 : i32
    %dma_start3A_119 = arith.constant 0 : i32
    %dma_start3A_120 = tpu.memref_slice %arg13[%dma_start3A_116, %dma_start3A_118, %dma_start3A_119] : memref<2x400x16xf32, #tpu.memory_space<vmem>> -> memref<1x128x16xf32, #tpu.memory_space<vmem>>
    %dma_start3A_121 = tpu.memref_squeeze %dma_start3A_120 : memref<1x128x16xf32, #tpu.memory_space<vmem>> -> memref<128x16xf32, #tpu.memory_space<vmem>>
    %dma_start3A_122 = arith.constant 256 : i32
    %dma_start3A_123 = tpu.memref_slice %arg10[%dma_start3A_115, %dma_start3A_122] : memref<2x400xi32, #tpu.memory_space<vmem>> -> memref<1x128xi32, #tpu.memory_space<vmem>>
    %dma_start3A_124 = tpu.memref_squeeze %dma_start3A_123 : memref<1x128xi32, #tpu.memory_space<vmem>> -> memref<128xi32, #tpu.memory_space<vmem>>
    %dma_start3A_125 = arith.constant 0 : i32
    %dma_start3A_126 = arith.constant 0 : i32
    %dma_start3A_127 = tpu.memref_slice %arg6[%dma_start3A_125, %dma_start3A_126] : memref<1600x16xf32, #tpu.memory_space<hbm>> -> memref<1600x16xf32, #tpu.memory_space<hbm>>
    %dma_start3A_128 = tpu.memref_slice %arg15[%dma_start3A_117] : memref<2x!tpu.dma_semaphore, #tpu.memory_space<semaphore_mem>> -> memref<1x!tpu.dma_semaphore, #tpu.memory_space<semaphore_mem>>
    %dma_start3A_129 = tpu.memref_squeeze %dma_start3A_128 : memref<1x!tpu.dma_semaphore, #tpu.memory_space<semaphore_mem>> -> memref<!tpu.dma_semaphore, #tpu.memory_space<semaphore_mem>>
    tpu.enqueue_indirect_dma source(%dma_start3A_127 : memref<1600x16xf32, #tpu.memory_space<hbm>>) target(%dma_start3A_121 : memref<128x16xf32, #tpu.memory_space<vmem>>) offsets(%dma_start3A_124 : memref<128xi32, #tpu.memory_space<vmem>>) semaphore(%dma_start3A_129 : memref<!tpu.dma_semaphore, #tpu.memory_space<semaphore_mem>>)
    %dma_start3A_130 = arith.constant 0 : i32
    %dma_start3A_131 = arith.constant 0 : i32
    %dma_start3A_132 = arith.constant 0 : i32
    %dma_start3A_133 = arith.constant 256 : i32
    %dma_start3A_134 = arith.constant 0 : i32
    %dma_start3A_135 = tpu.memref_slice %arg14[%dma_start3A_131, %dma_start3A_133, %dma_start3A_134] : memref<2x400x16xf32, #tpu.memory_space<vmem>> -> memref<1x128x16xf32, #tpu.memory_space<vmem>>
    %dma_start3A_136 = tpu.memref_squeeze %dma_start3A_135 : memref<1x128x16xf32, #tpu.memory_space<vmem>> -> memref<128x16xf32, #tpu.memory_space<vmem>>
    %dma_start3A_137 = arith.constant 256 : i32
    %dma_start3A_138 = tpu.memref_slice %arg11[%dma_start3A_130, %dma_start3A_137] : memref<2x400xi32, #tpu.memory_space<vmem>> -> memref<1x128xi32, #tpu.memory_space<vmem>>
    %dma_start3A_139 = tpu.memref_squeeze %dma_start3A_138 : memref<1x128xi32, #tpu.memory_space<vmem>> -> memref<128xi32, #tpu.memory_space<vmem>>
    %dma_start3A_140 = arith.constant 0 : i32
    %dma_start3A_141 = arith.constant 0 : i32
    %dma_start3A_142 = tpu.memref_slice %arg7[%dma_start3A_140, %dma_start3A_141] : memref<1600x16xf32, #tpu.memory_space<hbm>> -> memref<1600x16xf32, #tpu.memory_space<hbm>>
    %dma_start3A_143 = tpu.memref_slice %arg15[%dma_start3A_132] : memref<2x!tpu.dma_semaphore, #tpu.memory_space<semaphore_mem>> -> memref<1x!tpu.dma_semaphore, #tpu.memory_space<semaphore_mem>>
    %dma_start3A_144 = tpu.memref_squeeze %dma_start3A_143 : memref<1x!tpu.dma_semaphore, #tpu.memory_space<semaphore_mem>> -> memref<!tpu.dma_semaphore, #tpu.memory_space<semaphore_mem>>
    tpu.enqueue_indirect_dma source(%dma_start3A_142 : memref<1600x16xf32, #tpu.memory_space<hbm>>) target(%dma_start3A_136 : memref<128x16xf32, #tpu.memory_space<vmem>>) offsets(%dma_start3A_139 : memref<128xi32, #tpu.memory_space<vmem>>) semaphore(%dma_start3A_144 : memref<!tpu.dma_semaphore, #tpu.memory_space<semaphore_mem>>)
    %dma_start3A_145 = arith.constant 0 : i32
    %dma_start3A_146 = arith.constant 0 : i32
    %dma_start3A_147 = arith.constant 0 : i32
    %dma_start3A_148 = arith.constant 384 : i32
    %dma_start3A_149 = arith.constant 0 : i32
    %dma_start3A_150 = tpu.memref_slice %arg12[%dma_start3A_146, %dma_start3A_148, %dma_start3A_149] : memref<2x400x64xf32, #tpu.memory_space<vmem>> -> memref<1x16x64xf32, #tpu.memory_space<vmem>>
    %dma_start3A_151 = tpu.memref_squeeze %dma_start3A_150 : memref<1x16x64xf32, #tpu.memory_space<vmem>> -> memref<16x64xf32, #tpu.memory_space<vmem>>
    %dma_start3A_152 = arith.constant 384 : i32
    %dma_start3A_153 = tpu.memref_slice %arg9[%dma_start3A_145, %dma_start3A_152] : memref<2x400xi32, #tpu.memory_space<vmem>> -> memref<1x16xi32, #tpu.memory_space<vmem>>
    %dma_start3A_154 = tpu.memref_squeeze %dma_start3A_153 : memref<1x16xi32, #tpu.memory_space<vmem>> -> memref<16xi32, #tpu.memory_space<vmem>>
    %dma_start3A_155 = arith.constant 0 : i32
    %dma_start3A_156 = arith.constant 0 : i32
    %dma_start3A_157 = tpu.memref_slice %arg5[%dma_start3A_155, %dma_start3A_156] : memref<1000000x64xf32, #tpu.memory_space<hbm>> -> memref<1000000x64xf32, #tpu.memory_space<hbm>>
    %dma_start3A_158 = tpu.memref_slice %arg15[%dma_start3A_147] : memref<2x!tpu.dma_semaphore, #tpu.memory_space<semaphore_mem>> -> memref<1x!tpu.dma_semaphore, #tpu.memory_space<semaphore_mem>>
    %dma_start3A_159 = tpu.memref_squeeze %dma_start3A_158 : memref<1x!tpu.dma_semaphore, #tpu.memory_space<semaphore_mem>> -> memref<!tpu.dma_semaphore, #tpu.memory_space<semaphore_mem>>
    tpu.enqueue_indirect_dma source(%dma_start3A_157 : memref<1000000x64xf32, #tpu.memory_space<hbm>>) target(%dma_start3A_151 : memref<16x64xf32, #tpu.memory_space<vmem>>) offsets(%dma_start3A_154 : memref<16xi32, #tpu.memory_space<vmem>>) semaphore(%dma_start3A_159 : memref<!tpu.dma_semaphore, #tpu.memory_space<semaphore_mem>>)
    %dma_start3A_160 = arith.constant 0 : i32
    %dma_start3A_161 = arith.constant 0 : i32
    %dma_start3A_162 = arith.constant 0 : i32
    %dma_start3A_163 = arith.constant 384 : i32
    %dma_start3A_164 = arith.constant 0 : i32
    %dma_start3A_165 = tpu.memref_slice %arg13[%dma_start3A_161, %dma_start3A_163, %dma_start3A_164] : memref<2x400x16xf32, #tpu.memory_space<vmem>> -> memref<1x16x16xf32, #tpu.memory_space<vmem>>
    %dma_start3A_166 = tpu.memref_squeeze %dma_start3A_165 : memref<1x16x16xf32, #tpu.memory_space<vmem>> -> memref<16x16xf32, #tpu.memory_space<vmem>>
    %dma_start3A_167 = arith.constant 384 : i32
    %dma_start3A_168 = tpu.memref_slice %arg10[%dma_start3A_160, %dma_start3A_167] : memref<2x400xi32, #tpu.memory_space<vmem>> -> memref<1x16xi32, #tpu.memory_space<vmem>>
    %dma_start3A_169 = tpu.memref_squeeze %dma_start3A_168 : memref<1x16xi32, #tpu.memory_space<vmem>> -> memref<16xi32, #tpu.memory_space<vmem>>
    %dma_start3A_170 = arith.constant 0 : i32
    %dma_start3A_171 = arith.constant 0 : i32
    %dma_start3A_172 = tpu.memref_slice %arg6[%dma_start3A_170, %dma_start3A_171] : memref<1600x16xf32, #tpu.memory_space<hbm>> -> memref<1600x16xf32, #tpu.memory_space<hbm>>
    %dma_start3A_173 = tpu.memref_slice %arg15[%dma_start3A_162] : memref<2x!tpu.dma_semaphore, #tpu.memory_space<semaphore_mem>> -> memref<1x!tpu.dma_semaphore, #tpu.memory_space<semaphore_mem>>
    %dma_start3A_174 = tpu.memref_squeeze %dma_start3A_173 : memref<1x!tpu.dma_semaphore, #tpu.memory_space<semaphore_mem>> -> memref<!tpu.dma_semaphore, #tpu.memory_space<semaphore_mem>>
    tpu.enqueue_indirect_dma source(%dma_start3A_172 : memref<1600x16xf32, #tpu.memory_space<hbm>>) target(%dma_start3A_166 : memref<16x16xf32, #tpu.memory_space<vmem>>) offsets(%dma_start3A_169 : memref<16xi32, #tpu.memory_space<vmem>>) semaphore(%dma_start3A_174 : memref<!tpu.dma_semaphore, #tpu.memory_space<semaphore_mem>>)
    %dma_start3A_175 = arith.constant 0 : i32
    %dma_start3A_176 = arith.constant 0 : i32
    %dma_start3A_177 = arith.constant 0 : i32
    %dma_start3A_178 = arith.constant 384 : i32
    %dma_start3A_179 = arith.constant 0 : i32
    %dma_start3A_180 = tpu.memref_slice %arg14[%dma_start3A_176, %dma_start3A_178, %dma_start3A_179] : memref<2x400x16xf32, #tpu.memory_space<vmem>> -> memref<1x16x16xf32, #tpu.memory_space<vmem>>
    %dma_start3A_181 = tpu.memref_squeeze %dma_start3A_180 : memref<1x16x16xf32, #tpu.memory_space<vmem>> -> memref<16x16xf32, #tpu.memory_space<vmem>>
    %dma_start3A_182 = arith.constant 384 : i32
    %dma_start3A_183 = tpu.memref_slice %arg11[%dma_start3A_175, %dma_start3A_182] : memref<2x400xi32, #tpu.memory_space<vmem>> -> memref<1x16xi32, #tpu.memory_space<vmem>>
    %dma_start3A_184 = tpu.memref_squeeze %dma_start3A_183 : memref<1x16xi32, #tpu.memory_space<vmem>> -> memref<16xi32, #tpu.memory_space<vmem>>
    %dma_start3A_185 = arith.constant 0 : i32
    %dma_start3A_186 = arith.constant 0 : i32
    %dma_start3A_187 = tpu.memref_slice %arg7[%dma_start3A_185, %dma_start3A_186] : memref<1600x16xf32, #tpu.memory_space<hbm>> -> memref<1600x16xf32, #tpu.memory_space<hbm>>
    %dma_start3A_188 = tpu.memref_slice %arg15[%dma_start3A_177] : memref<2x!tpu.dma_semaphore, #tpu.memory_space<semaphore_mem>> -> memref<1x!tpu.dma_semaphore, #tpu.memory_space<semaphore_mem>>
    %dma_start3A_189 = tpu.memref_squeeze %dma_start3A_188 : memref<1x!tpu.dma_semaphore, #tpu.memory_space<semaphore_mem>> -> memref<!tpu.dma_semaphore, #tpu.memory_space<semaphore_mem>>
    tpu.enqueue_indirect_dma source(%dma_start3A_187 : memref<1600x16xf32, #tpu.memory_space<hbm>>) target(%dma_start3A_181 : memref<16x16xf32, #tpu.memory_space<vmem>>) offsets(%dma_start3A_184 : memref<16xi32, #tpu.memory_space<vmem>>) semaphore(%dma_start3A_189 : memref<!tpu.dma_semaphore, #tpu.memory_space<semaphore_mem>>)
    %scan3A = arith.constant 0 : i32
    %scan3A_190 = arith.constant 16 : i32
    %scan3A_191 = arith.addi %scan3A, %scan3A_190 : i32
    %scan3A_192 = arith.constant 1 : i32
    scf.for %scan3A_321 = %scan3A to %scan3A_191 step %scan3A_192  : i32 {
      %mul3A_322 = arith.constant 1 : i32
      %mul3A_323 = arith.muli %scan3A_321, %mul3A_322 : i32
      %add3A_324 = arith.constant 0 : i32
      %add3A_325 = arith.addi %add3A_324, %mul3A_323 : i32
      %rem3A = arith.constant 2 : i32
      %rem3A_326 = arith.remsi %add3A_325, %rem3A : i32
      %add3A_327 = arith.constant 1 : i32
      %add3A_328 = arith.addi %add3A_325, %add3A_327 : i32
      %rem3A_329 = arith.constant 2 : i32
      %rem3A_330 = arith.remsi %add3A_328, %rem3A_329 : i32
      %ge3A = arith.constant 1 : i32
      %ge3A_331 = arith.cmpi sge, %add3A_325, %ge3A : i32
      %convert_element_type3A = arith.extui %ge3A_331 : i1 to i32
      %cond3A = arith.constant 0 : i32
      %cond3A_332 = arith.cmpi ne, %convert_element_type3A, %cond3A : i32
      scf.if %cond3A_332 {
        %sub3A = arith.constant 1 : i32
        %sub3A_601 = arith.subi %add3A_325, %sub3A : i32
        %mul3A_602 = arith.constant 2 : i32
        %mul3A_603 = arith.muli %sub3A_601, %mul3A_602 : i32
        %add3A_604 = arith.addi %mul3A_6, %mul3A_603 : i32
        %add3A_605 = arith.constant 0 : i32
        %add3A_606 = arith.addi %add3A_604, %add3A_605 : i32
        %dma_wait3A_607 = arith.constant 0 : i32
        %dma_wait3A_608 = arith.constant 0 : i32
        %dma_wait3A_609 = tpu.memref_slice %arg12[%rem3A_330, %dma_wait3A_607, %dma_wait3A_608] : memref<2x400x64xf32, #tpu.memory_space<vmem>> -> memref<1x200x64xf32, #tpu.memory_space<vmem>>
        %dma_wait3A_610 = tpu.memref_squeeze %dma_wait3A_609 : memref<1x200x64xf32, #tpu.memory_space<vmem>> -> memref<200x64xf32, #tpu.memory_space<vmem>>
        %dma_wait3A_611 = arith.constant 0 : i32
        %dma_wait3A_612 = arith.constant 0 : i32
        %dma_wait3A_613 = tpu.memref_slice %arg8[%add3A_606, %dma_wait3A_611, %dma_wait3A_612] : memref<1024x200x128xf32, #tpu.memory_space<hbm>> -> memref<1x200x64xf32, #tpu.memory_space<hbm>>
        %dma_wait3A_614 = tpu.memref_squeeze %dma_wait3A_613 : memref<1x200x64xf32, #tpu.memory_space<hbm>> -> memref<200x64xf32, #tpu.memory_space<hbm>>
        %dma_wait3A_615 = tpu.memref_slice %arg16[%rem3A_330] : memref<2x!tpu.dma_semaphore, #tpu.memory_space<semaphore_mem>> -> memref<1x!tpu.dma_semaphore, #tpu.memory_space<semaphore_mem>>
        %dma_wait3A_616 = tpu.memref_squeeze %dma_wait3A_615 : memref<1x!tpu.dma_semaphore, #tpu.memory_space<semaphore_mem>> -> memref<!tpu.dma_semaphore, #tpu.memory_space<semaphore_mem>>
        %dma_wait3A_617 = arith.constant 0 : i32
        %dma_wait3A_618 = arith.constant 0 : i32
        %dma_wait3A_619 = tpu.memref_slice %arg8[%add3A_606, %dma_wait3A_617, %dma_wait3A_618] : memref<1024x200x128xf32, #tpu.memory_space<hbm>> -> memref<1x200x64xf32, #tpu.memory_space<hbm>>
        %dma_wait3A_620 = tpu.memref_squeeze %dma_wait3A_619 : memref<1x200x64xf32, #tpu.memory_space<hbm>> -> memref<200x64xf32, #tpu.memory_space<hbm>>
        %dma_wait3A_621 = arith.constant 0 : i32
        %dma_wait3A_622 = arith.constant 0 : i32
        %dma_wait3A_623 = tpu.memref_slice %arg12[%rem3A_330, %dma_wait3A_621, %dma_wait3A_622] : memref<2x400x64xf32, #tpu.memory_space<vmem>> -> memref<1x200x64xf32, #tpu.memory_space<vmem>>
        %dma_wait3A_624 = tpu.memref_squeeze %dma_wait3A_623 : memref<1x200x64xf32, #tpu.memory_space<vmem>> -> memref<200x64xf32, #tpu.memory_space<vmem>>
        tpu.wait_dma2 semaphore(%dma_wait3A_616 : memref<!tpu.dma_semaphore, #tpu.memory_space<semaphore_mem>>) src(%dma_wait3A_624 : memref<200x64xf32, #tpu.memory_space<vmem>>) dst(%dma_wait3A_620 : memref<200x64xf32, #tpu.memory_space<hbm>>)
        %dma_wait3A_625 = arith.constant 0 : i32
        %dma_wait3A_626 = arith.constant 0 : i32
        %dma_wait3A_627 = tpu.memref_slice %arg13[%rem3A_330, %dma_wait3A_625, %dma_wait3A_626] : memref<2x400x16xf32, #tpu.memory_space<vmem>> -> memref<1x200x16xf32, #tpu.memory_space<vmem>>
        %dma_wait3A_628 = tpu.memref_squeeze %dma_wait3A_627 : memref<1x200x16xf32, #tpu.memory_space<vmem>> -> memref<200x16xf32, #tpu.memory_space<vmem>>
        %dma_wait3A_629 = arith.constant 0 : i32
        %dma_wait3A_630 = arith.constant 64 : i32
        %dma_wait3A_631 = tpu.memref_slice %arg8[%add3A_606, %dma_wait3A_629, %dma_wait3A_630] : memref<1024x200x128xf32, #tpu.memory_space<hbm>> -> memref<1x200x16xf32, #tpu.memory_space<hbm>>
        %dma_wait3A_632 = tpu.memref_squeeze %dma_wait3A_631 : memref<1x200x16xf32, #tpu.memory_space<hbm>> -> memref<200x16xf32, #tpu.memory_space<hbm>>
        %dma_wait3A_633 = tpu.memref_slice %arg16[%rem3A_330] : memref<2x!tpu.dma_semaphore, #tpu.memory_space<semaphore_mem>> -> memref<1x!tpu.dma_semaphore, #tpu.memory_space<semaphore_mem>>
        %dma_wait3A_634 = tpu.memref_squeeze %dma_wait3A_633 : memref<1x!tpu.dma_semaphore, #tpu.memory_space<semaphore_mem>> -> memref<!tpu.dma_semaphore, #tpu.memory_space<semaphore_mem>>
        %dma_wait3A_635 = arith.constant 0 : i32
        %dma_wait3A_636 = arith.constant 64 : i32
        %dma_wait3A_637 = tpu.memref_slice %arg8[%add3A_606, %dma_wait3A_635, %dma_wait3A_636] : memref<1024x200x128xf32, #tpu.memory_space<hbm>> -> memref<1x200x16xf32, #tpu.memory_space<hbm>>
        %dma_wait3A_638 = tpu.memref_squeeze %dma_wait3A_637 : memref<1x200x16xf32, #tpu.memory_space<hbm>> -> memref<200x16xf32, #tpu.memory_space<hbm>>
        %dma_wait3A_639 = arith.constant 0 : i32
        %dma_wait3A_640 = arith.constant 0 : i32
        %dma_wait3A_641 = tpu.memref_slice %arg13[%rem3A_330, %dma_wait3A_639, %dma_wait3A_640] : memref<2x400x16xf32, #tpu.memory_space<vmem>> -> memref<1x200x16xf32, #tpu.memory_space<vmem>>
        %dma_wait3A_642 = tpu.memref_squeeze %dma_wait3A_641 : memref<1x200x16xf32, #tpu.memory_space<vmem>> -> memref<200x16xf32, #tpu.memory_space<vmem>>
        tpu.wait_dma2 semaphore(%dma_wait3A_634 : memref<!tpu.dma_semaphore, #tpu.memory_space<semaphore_mem>>) src(%dma_wait3A_642 : memref<200x16xf32, #tpu.memory_space<vmem>>) dst(%dma_wait3A_638 : memref<200x16xf32, #tpu.memory_space<hbm>>)
        %dma_wait3A_643 = arith.constant 0 : i32
        %dma_wait3A_644 = arith.constant 0 : i32
        %dma_wait3A_645 = tpu.memref_slice %arg14[%rem3A_330, %dma_wait3A_643, %dma_wait3A_644] : memref<2x400x16xf32, #tpu.memory_space<vmem>> -> memref<1x200x16xf32, #tpu.memory_space<vmem>>
        %dma_wait3A_646 = tpu.memref_squeeze %dma_wait3A_645 : memref<1x200x16xf32, #tpu.memory_space<vmem>> -> memref<200x16xf32, #tpu.memory_space<vmem>>
        %dma_wait3A_647 = arith.constant 0 : i32
        %dma_wait3A_648 = arith.constant 80 : i32
        %dma_wait3A_649 = tpu.memref_slice %arg8[%add3A_606, %dma_wait3A_647, %dma_wait3A_648] : memref<1024x200x128xf32, #tpu.memory_space<hbm>> -> memref<1x200x16xf32, #tpu.memory_space<hbm>>
        %dma_wait3A_650 = tpu.memref_squeeze %dma_wait3A_649 : memref<1x200x16xf32, #tpu.memory_space<hbm>> -> memref<200x16xf32, #tpu.memory_space<hbm>>
        %dma_wait3A_651 = tpu.memref_slice %arg16[%rem3A_330] : memref<2x!tpu.dma_semaphore, #tpu.memory_space<semaphore_mem>> -> memref<1x!tpu.dma_semaphore, #tpu.memory_space<semaphore_mem>>
        %dma_wait3A_652 = tpu.memref_squeeze %dma_wait3A_651 : memref<1x!tpu.dma_semaphore, #tpu.memory_space<semaphore_mem>> -> memref<!tpu.dma_semaphore, #tpu.memory_space<semaphore_mem>>
        %dma_wait3A_653 = arith.constant 0 : i32
        %dma_wait3A_654 = arith.constant 80 : i32
        %dma_wait3A_655 = tpu.memref_slice %arg8[%add3A_606, %dma_wait3A_653, %dma_wait3A_654] : memref<1024x200x128xf32, #tpu.memory_space<hbm>> -> memref<1x200x16xf32, #tpu.memory_space<hbm>>
        %dma_wait3A_656 = tpu.memref_squeeze %dma_wait3A_655 : memref<1x200x16xf32, #tpu.memory_space<hbm>> -> memref<200x16xf32, #tpu.memory_space<hbm>>
        %dma_wait3A_657 = arith.constant 0 : i32
        %dma_wait3A_658 = arith.constant 0 : i32
        %dma_wait3A_659 = tpu.memref_slice %arg14[%rem3A_330, %dma_wait3A_657, %dma_wait3A_658] : memref<2x400x16xf32, #tpu.memory_space<vmem>> -> memref<1x200x16xf32, #tpu.memory_space<vmem>>
        %dma_wait3A_660 = tpu.memref_squeeze %dma_wait3A_659 : memref<1x200x16xf32, #tpu.memory_space<vmem>> -> memref<200x16xf32, #tpu.memory_space<vmem>>
        tpu.wait_dma2 semaphore(%dma_wait3A_652 : memref<!tpu.dma_semaphore, #tpu.memory_space<semaphore_mem>>) src(%dma_wait3A_660 : memref<200x16xf32, #tpu.memory_space<vmem>>) dst(%dma_wait3A_656 : memref<200x16xf32, #tpu.memory_space<hbm>>)
        %mul3A_661 = arith.constant 2 : i32
        %mul3A_662 = arith.muli %sub3A_601, %mul3A_661 : i32
        %add3A_663 = arith.addi %mul3A_6, %mul3A_662 : i32
        %add3A_664 = arith.constant 1 : i32
        %add3A_665 = arith.addi %add3A_663, %add3A_664 : i32
        %dma_wait3A_666 = arith.constant 200 : i32
        %dma_wait3A_667 = arith.constant 0 : i32
        %dma_wait3A_668 = tpu.memref_slice %arg12[%rem3A_330, %dma_wait3A_666, %dma_wait3A_667] : memref<2x400x64xf32, #tpu.memory_space<vmem>> -> memref<1x200x64xf32, #tpu.memory_space<vmem>>
        %dma_wait3A_669 = tpu.memref_squeeze %dma_wait3A_668 : memref<1x200x64xf32, #tpu.memory_space<vmem>> -> memref<200x64xf32, #tpu.memory_space<vmem>>
        %dma_wait3A_670 = arith.constant 0 : i32
        %dma_wait3A_671 = arith.constant 0 : i32
        %dma_wait3A_672 = tpu.memref_slice %arg8[%add3A_665, %dma_wait3A_670, %dma_wait3A_671] : memref<1024x200x128xf32, #tpu.memory_space<hbm>> -> memref<1x200x64xf32, #tpu.memory_space<hbm>>
        %dma_wait3A_673 = tpu.memref_squeeze %dma_wait3A_672 : memref<1x200x64xf32, #tpu.memory_space<hbm>> -> memref<200x64xf32, #tpu.memory_space<hbm>>
        %dma_wait3A_674 = tpu.memref_slice %arg16[%rem3A_330] : memref<2x!tpu.dma_semaphore, #tpu.memory_space<semaphore_mem>> -> memref<1x!tpu.dma_semaphore, #tpu.memory_space<semaphore_mem>>
        %dma_wait3A_675 = tpu.memref_squeeze %dma_wait3A_674 : memref<1x!tpu.dma_semaphore, #tpu.memory_space<semaphore_mem>> -> memref<!tpu.dma_semaphore, #tpu.memory_space<semaphore_mem>>
        %dma_wait3A_676 = arith.constant 0 : i32
        %dma_wait3A_677 = arith.constant 0 : i32
        %dma_wait3A_678 = tpu.memref_slice %arg8[%add3A_665, %dma_wait3A_676, %dma_wait3A_677] : memref<1024x200x128xf32, #tpu.memory_space<hbm>> -> memref<1x200x64xf32, #tpu.memory_space<hbm>>
        %dma_wait3A_679 = tpu.memref_squeeze %dma_wait3A_678 : memref<1x200x64xf32, #tpu.memory_space<hbm>> -> memref<200x64xf32, #tpu.memory_space<hbm>>
        %dma_wait3A_680 = arith.constant 200 : i32
        %dma_wait3A_681 = arith.constant 0 : i32
        %dma_wait3A_682 = tpu.memref_slice %arg12[%rem3A_330, %dma_wait3A_680, %dma_wait3A_681] : memref<2x400x64xf32, #tpu.memory_space<vmem>> -> memref<1x200x64xf32, #tpu.memory_space<vmem>>
        %dma_wait3A_683 = tpu.memref_squeeze %dma_wait3A_682 : memref<1x200x64xf32, #tpu.memory_space<vmem>> -> memref<200x64xf32, #tpu.memory_space<vmem>>
        tpu.wait_dma2 semaphore(%dma_wait3A_675 : memref<!tpu.dma_semaphore, #tpu.memory_space<semaphore_mem>>) src(%dma_wait3A_683 : memref<200x64xf32, #tpu.memory_space<vmem>>) dst(%dma_wait3A_679 : memref<200x64xf32, #tpu.memory_space<hbm>>)
        %dma_wait3A_684 = arith.constant 200 : i32
        %dma_wait3A_685 = arith.constant 0 : i32
        %dma_wait3A_686 = tpu.memref_slice %arg13[%rem3A_330, %dma_wait3A_684, %dma_wait3A_685] : memref<2x400x16xf32, #tpu.memory_space<vmem>> -> memref<1x200x16xf32, #tpu.memory_space<vmem>>
        %dma_wait3A_687 = tpu.memref_squeeze %dma_wait3A_686 : memref<1x200x16xf32, #tpu.memory_space<vmem>> -> memref<200x16xf32, #tpu.memory_space<vmem>>
        %dma_wait3A_688 = arith.constant 0 : i32
        %dma_wait3A_689 = arith.constant 64 : i32
        %dma_wait3A_690 = tpu.memref_slice %arg8[%add3A_665, %dma_wait3A_688, %dma_wait3A_689] : memref<1024x200x128xf32, #tpu.memory_space<hbm>> -> memref<1x200x16xf32, #tpu.memory_space<hbm>>
        %dma_wait3A_691 = tpu.memref_squeeze %dma_wait3A_690 : memref<1x200x16xf32, #tpu.memory_space<hbm>> -> memref<200x16xf32, #tpu.memory_space<hbm>>
        %dma_wait3A_692 = tpu.memref_slice %arg16[%rem3A_330] : memref<2x!tpu.dma_semaphore, #tpu.memory_space<semaphore_mem>> -> memref<1x!tpu.dma_semaphore, #tpu.memory_space<semaphore_mem>>
        %dma_wait3A_693 = tpu.memref_squeeze %dma_wait3A_692 : memref<1x!tpu.dma_semaphore, #tpu.memory_space<semaphore_mem>> -> memref<!tpu.dma_semaphore, #tpu.memory_space<semaphore_mem>>
        %dma_wait3A_694 = arith.constant 0 : i32
        %dma_wait3A_695 = arith.constant 64 : i32
        %dma_wait3A_696 = tpu.memref_slice %arg8[%add3A_665, %dma_wait3A_694, %dma_wait3A_695] : memref<1024x200x128xf32, #tpu.memory_space<hbm>> -> memref<1x200x16xf32, #tpu.memory_space<hbm>>
        %dma_wait3A_697 = tpu.memref_squeeze %dma_wait3A_696 : memref<1x200x16xf32, #tpu.memory_space<hbm>> -> memref<200x16xf32, #tpu.memory_space<hbm>>
        %dma_wait3A_698 = arith.constant 200 : i32
        %dma_wait3A_699 = arith.constant 0 : i32
        %dma_wait3A_700 = tpu.memref_slice %arg13[%rem3A_330, %dma_wait3A_698, %dma_wait3A_699] : memref<2x400x16xf32, #tpu.memory_space<vmem>> -> memref<1x200x16xf32, #tpu.memory_space<vmem>>
        %dma_wait3A_701 = tpu.memref_squeeze %dma_wait3A_700 : memref<1x200x16xf32, #tpu.memory_space<vmem>> -> memref<200x16xf32, #tpu.memory_space<vmem>>
        tpu.wait_dma2 semaphore(%dma_wait3A_693 : memref<!tpu.dma_semaphore, #tpu.memory_space<semaphore_mem>>) src(%dma_wait3A_701 : memref<200x16xf32, #tpu.memory_space<vmem>>) dst(%dma_wait3A_697 : memref<200x16xf32, #tpu.memory_space<hbm>>)
        %dma_wait3A_702 = arith.constant 200 : i32
        %dma_wait3A_703 = arith.constant 0 : i32
        %dma_wait3A_704 = tpu.memref_slice %arg14[%rem3A_330, %dma_wait3A_702, %dma_wait3A_703] : memref<2x400x16xf32, #tpu.memory_space<vmem>> -> memref<1x200x16xf32, #tpu.memory_space<vmem>>
        %dma_wait3A_705 = tpu.memref_squeeze %dma_wait3A_704 : memref<1x200x16xf32, #tpu.memory_space<vmem>> -> memref<200x16xf32, #tpu.memory_space<vmem>>
        %dma_wait3A_706 = arith.constant 0 : i32
        %dma_wait3A_707 = arith.constant 80 : i32
        %dma_wait3A_708 = tpu.memref_slice %arg8[%add3A_665, %dma_wait3A_706, %dma_wait3A_707] : memref<1024x200x128xf32, #tpu.memory_space<hbm>> -> memref<1x200x16xf32, #tpu.memory_space<hbm>>
        %dma_wait3A_709 = tpu.memref_squeeze %dma_wait3A_708 : memref<1x200x16xf32, #tpu.memory_space<hbm>> -> memref<200x16xf32, #tpu.memory_space<hbm>>
        %dma_wait3A_710 = tpu.memref_slice %arg16[%rem3A_330] : memref<2x!tpu.dma_semaphore, #tpu.memory_space<semaphore_mem>> -> memref<1x!tpu.dma_semaphore, #tpu.memory_space<semaphore_mem>>
        %dma_wait3A_711 = tpu.memref_squeeze %dma_wait3A_710 : memref<1x!tpu.dma_semaphore, #tpu.memory_space<semaphore_mem>> -> memref<!tpu.dma_semaphore, #tpu.memory_space<semaphore_mem>>
        %dma_wait3A_712 = arith.constant 0 : i32
        %dma_wait3A_713 = arith.constant 80 : i32
        %dma_wait3A_714 = tpu.memref_slice %arg8[%add3A_665, %dma_wait3A_712, %dma_wait3A_713] : memref<1024x200x128xf32, #tpu.memory_space<hbm>> -> memref<1x200x16xf32, #tpu.memory_space<hbm>>
        %dma_wait3A_715 = tpu.memref_squeeze %dma_wait3A_714 : memref<1x200x16xf32, #tpu.memory_space<hbm>> -> memref<200x16xf32, #tpu.memory_space<hbm>>
        %dma_wait3A_716 = arith.constant 200 : i32
        %dma_wait3A_717 = arith.constant 0 : i32
        %dma_wait3A_718 = tpu.memref_slice %arg14[%rem3A_330, %dma_wait3A_716, %dma_wait3A_717] : memref<2x400x16xf32, #tpu.memory_space<vmem>> -> memref<1x200x16xf32, #tpu.memory_space<vmem>>
        %dma_wait3A_719 = tpu.memref_squeeze %dma_wait3A_718 : memref<1x200x16xf32, #tpu.memory_space<vmem>> -> memref<200x16xf32, #tpu.memory_space<vmem>>
        tpu.wait_dma2 semaphore(%dma_wait3A_711 : memref<!tpu.dma_semaphore, #tpu.memory_space<semaphore_mem>>) src(%dma_wait3A_719 : memref<200x16xf32, #tpu.memory_space<vmem>>) dst(%dma_wait3A_715 : memref<200x16xf32, #tpu.memory_space<hbm>>)
      } else {
      }
      %add3A_333 = arith.constant 1 : i32
      %add3A_334 = arith.addi %add3A_325, %add3A_333 : i32
      %lt3A = arith.constant 16 : i32
      %lt3A_335 = arith.cmpi slt, %add3A_334, %lt3A : i32
      %convert_element_type3A_336 = arith.extui %lt3A_335 : i1 to i32
      %cond3A_337 = arith.constant 0 : i32
      %cond3A_338 = arith.cmpi ne, %convert_element_type3A_336, %cond3A_337 : i32
      scf.if %cond3A_338 {
        %add3A_601 = arith.constant 1 : i32
        %add3A_602 = arith.addi %add3A_325, %add3A_601 : i32
        %mul3A_603 = arith.constant 400 : i32
        %mul3A_604 = arith.muli %add3A_602, %mul3A_603 : i32
        %add3A_605 = arith.addi %mul3A_4, %mul3A_604 : i32
        "tpu.region"() ({
          %run_scoped3A_750 = tpu.sem_alloc : memref<!tpu.dma_semaphore, #tpu.memory_space<semaphore_mem>>
          %dma_start3A_751 = arith.constant 0 : i32
          %dma_start3A_752 = tpu.memref_slice %arg9[%rem3A_330, %dma_start3A_751] : memref<2x400xi32, #tpu.memory_space<vmem>> -> memref<1x400xi32, #tpu.memory_space<vmem>>
          %dma_start3A_753 = tpu.memref_squeeze %dma_start3A_752 : memref<1x400xi32, #tpu.memory_space<vmem>> -> memref<400xi32, #tpu.memory_space<vmem>>
          %dma_start3A_754 = tpu.memref_slice %arg2[%add3A_605] : memref<204800xi32, #tpu.memory_space<hbm>> -> memref<400xi32, #tpu.memory_space<hbm>>
          %dma_start3A_755 = arith.constant 0 : i32
          %dma_start3A_756 = tpu.memref_slice %arg9[%rem3A_330, %dma_start3A_755] : memref<2x400xi32, #tpu.memory_space<vmem>> -> memref<1x400xi32, #tpu.memory_space<vmem>>
          %dma_start3A_757 = tpu.memref_squeeze %dma_start3A_756 : memref<1x400xi32, #tpu.memory_space<vmem>> -> memref<400xi32, #tpu.memory_space<vmem>>
          %dma_start3A_758 = tpu.memref_slice %arg2[%add3A_605] : memref<204800xi32, #tpu.memory_space<hbm>> -> memref<400xi32, #tpu.memory_space<hbm>>
          tpu.enqueue_dma source(%dma_start3A_758 : memref<400xi32, #tpu.memory_space<hbm>>) target(%dma_start3A_757 : memref<400xi32, #tpu.memory_space<vmem>>) target_semaphore(%run_scoped3A_750 : memref<!tpu.dma_semaphore, #tpu.memory_space<semaphore_mem>>)
          %dma_wait3A_759 = arith.constant 0 : i32
          %dma_wait3A_760 = tpu.memref_slice %arg9[%rem3A_330, %dma_wait3A_759] : memref<2x400xi32, #tpu.memory_space<vmem>> -> memref<1x400xi32, #tpu.memory_space<vmem>>
          %dma_wait3A_761 = tpu.memref_squeeze %dma_wait3A_760 : memref<1x400xi32, #tpu.memory_space<vmem>> -> memref<400xi32, #tpu.memory_space<vmem>>
          %dma_wait3A_762 = tpu.memref_slice %arg2[%add3A_605] : memref<204800xi32, #tpu.memory_space<hbm>> -> memref<400xi32, #tpu.memory_space<hbm>>
          %dma_wait3A_763 = arith.constant 0 : i32
          %dma_wait3A_764 = tpu.memref_slice %arg9[%rem3A_330, %dma_wait3A_763] : memref<2x400xi32, #tpu.memory_space<vmem>> -> memref<1x400xi32, #tpu.memory_space<vmem>>
          %dma_wait3A_765 = tpu.memref_squeeze %dma_wait3A_764 : memref<1x400xi32, #tpu.memory_space<vmem>> -> memref<400xi32, #tpu.memory_space<vmem>>
          %dma_wait3A_766 = tpu.memref_slice %arg2[%add3A_605] : memref<204800xi32, #tpu.memory_space<hbm>> -> memref<400xi32, #tpu.memory_space<hbm>>
          tpu.wait_dma2 semaphore(%run_scoped3A_750 : memref<!tpu.dma_semaphore, #tpu.memory_space<semaphore_mem>>) src(%dma_wait3A_766 : memref<400xi32, #tpu.memory_space<hbm>>) dst(%dma_wait3A_765 : memref<400xi32, #tpu.memory_space<vmem>>)
          tpu.yield
        }) : () -> ()
        "tpu.region"() ({
          %run_scoped3A_750 = tpu.sem_alloc : memref<!tpu.dma_semaphore, #tpu.memory_space<semaphore_mem>>
          %dma_start3A_751 = arith.constant 0 : i32
          %dma_start3A_752 = tpu.memref_slice %arg10[%rem3A_330, %dma_start3A_751] : memref<2x400xi32, #tpu.memory_space<vmem>> -> memref<1x400xi32, #tpu.memory_space<vmem>>
          %dma_start3A_753 = tpu.memref_squeeze %dma_start3A_752 : memref<1x400xi32, #tpu.memory_space<vmem>> -> memref<400xi32, #tpu.memory_space<vmem>>
          %dma_start3A_754 = tpu.memref_slice %arg3[%add3A_605] : memref<204800xi32, #tpu.memory_space<hbm>> -> memref<400xi32, #tpu.memory_space<hbm>>
          %dma_start3A_755 = arith.constant 0 : i32
          %dma_start3A_756 = tpu.memref_slice %arg10[%rem3A_330, %dma_start3A_755] : memref<2x400xi32, #tpu.memory_space<vmem>> -> memref<1x400xi32, #tpu.memory_space<vmem>>
          %dma_start3A_757 = tpu.memref_squeeze %dma_start3A_756 : memref<1x400xi32, #tpu.memory_space<vmem>> -> memref<400xi32, #tpu.memory_space<vmem>>
          %dma_start3A_758 = tpu.memref_slice %arg3[%add3A_605] : memref<204800xi32, #tpu.memory_space<hbm>> -> memref<400xi32, #tpu.memory_space<hbm>>
          tpu.enqueue_dma source(%dma_start3A_758 : memref<400xi32, #tpu.memory_space<hbm>>) target(%dma_start3A_757 : memref<400xi32, #tpu.memory_space<vmem>>) target_semaphore(%run_scoped3A_750 : memref<!tpu.dma_semaphore, #tpu.memory_space<semaphore_mem>>)
          %dma_wait3A_759 = arith.constant 0 : i32
          %dma_wait3A_760 = tpu.memref_slice %arg10[%rem3A_330, %dma_wait3A_759] : memref<2x400xi32, #tpu.memory_space<vmem>> -> memref<1x400xi32, #tpu.memory_space<vmem>>
          %dma_wait3A_761 = tpu.memref_squeeze %dma_wait3A_760 : memref<1x400xi32, #tpu.memory_space<vmem>> -> memref<400xi32, #tpu.memory_space<vmem>>
          %dma_wait3A_762 = tpu.memref_slice %arg3[%add3A_605] : memref<204800xi32, #tpu.memory_space<hbm>> -> memref<400xi32, #tpu.memory_space<hbm>>
          %dma_wait3A_763 = arith.constant 0 : i32
          %dma_wait3A_764 = tpu.memref_slice %arg10[%rem3A_330, %dma_wait3A_763] : memref<2x400xi32, #tpu.memory_space<vmem>> -> memref<1x400xi32, #tpu.memory_space<vmem>>
          %dma_wait3A_765 = tpu.memref_squeeze %dma_wait3A_764 : memref<1x400xi32, #tpu.memory_space<vmem>> -> memref<400xi32, #tpu.memory_space<vmem>>
          %dma_wait3A_766 = tpu.memref_slice %arg3[%add3A_605] : memref<204800xi32, #tpu.memory_space<hbm>> -> memref<400xi32, #tpu.memory_space<hbm>>
          tpu.wait_dma2 semaphore(%run_scoped3A_750 : memref<!tpu.dma_semaphore, #tpu.memory_space<semaphore_mem>>) src(%dma_wait3A_766 : memref<400xi32, #tpu.memory_space<hbm>>) dst(%dma_wait3A_765 : memref<400xi32, #tpu.memory_space<vmem>>)
          tpu.yield
        }) : () -> ()
        "tpu.region"() ({
          %run_scoped3A_750 = tpu.sem_alloc : memref<!tpu.dma_semaphore, #tpu.memory_space<semaphore_mem>>
          %dma_start3A_751 = arith.constant 0 : i32
          %dma_start3A_752 = tpu.memref_slice %arg11[%rem3A_330, %dma_start3A_751] : memref<2x400xi32, #tpu.memory_space<vmem>> -> memref<1x400xi32, #tpu.memory_space<vmem>>
          %dma_start3A_753 = tpu.memref_squeeze %dma_start3A_752 : memref<1x400xi32, #tpu.memory_space<vmem>> -> memref<400xi32, #tpu.memory_space<vmem>>
          %dma_start3A_754 = tpu.memref_slice %arg4[%add3A_605] : memref<204800xi32, #tpu.memory_space<hbm>> -> memref<400xi32, #tpu.memory_space<hbm>>
          %dma_start3A_755 = arith.constant 0 : i32
          %dma_start3A_756 = tpu.memref_slice %arg11[%rem3A_330, %dma_start3A_755] : memref<2x400xi32, #tpu.memory_space<vmem>> -> memref<1x400xi32, #tpu.memory_space<vmem>>
          %dma_start3A_757 = tpu.memref_squeeze %dma_start3A_756 : memref<1x400xi32, #tpu.memory_space<vmem>> -> memref<400xi32, #tpu.memory_space<vmem>>
          %dma_start3A_758 = tpu.memref_slice %arg4[%add3A_605] : memref<204800xi32, #tpu.memory_space<hbm>> -> memref<400xi32, #tpu.memory_space<hbm>>
          tpu.enqueue_dma source(%dma_start3A_758 : memref<400xi32, #tpu.memory_space<hbm>>) target(%dma_start3A_757 : memref<400xi32, #tpu.memory_space<vmem>>) target_semaphore(%run_scoped3A_750 : memref<!tpu.dma_semaphore, #tpu.memory_space<semaphore_mem>>)
          %dma_wait3A_759 = arith.constant 0 : i32
          %dma_wait3A_760 = tpu.memref_slice %arg11[%rem3A_330, %dma_wait3A_759] : memref<2x400xi32, #tpu.memory_space<vmem>> -> memref<1x400xi32, #tpu.memory_space<vmem>>
          %dma_wait3A_761 = tpu.memref_squeeze %dma_wait3A_760 : memref<1x400xi32, #tpu.memory_space<vmem>> -> memref<400xi32, #tpu.memory_space<vmem>>
          %dma_wait3A_762 = tpu.memref_slice %arg4[%add3A_605] : memref<204800xi32, #tpu.memory_space<hbm>> -> memref<400xi32, #tpu.memory_space<hbm>>
          %dma_wait3A_763 = arith.constant 0 : i32
          %dma_wait3A_764 = tpu.memref_slice %arg11[%rem3A_330, %dma_wait3A_763] : memref<2x400xi32, #tpu.memory_space<vmem>> -> memref<1x400xi32, #tpu.memory_space<vmem>>
          %dma_wait3A_765 = tpu.memref_squeeze %dma_wait3A_764 : memref<1x400xi32, #tpu.memory_space<vmem>> -> memref<400xi32, #tpu.memory_space<vmem>>
          %dma_wait3A_766 = tpu.memref_slice %arg4[%add3A_605] : memref<204800xi32, #tpu.memory_space<hbm>> -> memref<400xi32, #tpu.memory_space<hbm>>
          tpu.wait_dma2 semaphore(%run_scoped3A_750 : memref<!tpu.dma_semaphore, #tpu.memory_space<semaphore_mem>>) src(%dma_wait3A_766 : memref<400xi32, #tpu.memory_space<hbm>>) dst(%dma_wait3A_765 : memref<400xi32, #tpu.memory_space<vmem>>)
          tpu.yield
        }) : () -> ()
        %dma_start3A_606 = arith.constant 0 : i32
        %dma_start3A_607 = arith.constant 0 : i32
        %dma_start3A_608 = tpu.memref_slice %arg12[%rem3A_330, %dma_start3A_606, %dma_start3A_607] : memref<2x400x64xf32, #tpu.memory_space<vmem>> -> memref<1x128x64xf32, #tpu.memory_space<vmem>>
        %dma_start3A_609 = tpu.memref_squeeze %dma_start3A_608 : memref<1x128x64xf32, #tpu.memory_space<vmem>> -> memref<128x64xf32, #tpu.memory_space<vmem>>
        %dma_start3A_610 = arith.constant 0 : i32
        %dma_start3A_611 = tpu.memref_slice %arg9[%rem3A_330, %dma_start3A_610] : memref<2x400xi32, #tpu.memory_space<vmem>> -> memref<1x128xi32, #tpu.memory_space<vmem>>
        %dma_start3A_612 = tpu.memref_squeeze %dma_start3A_611 : memref<1x128xi32, #tpu.memory_space<vmem>> -> memref<128xi32, #tpu.memory_space<vmem>>
        %dma_start3A_613 = arith.constant 0 : i32
        %dma_start3A_614 = arith.constant 0 : i32
        %dma_start3A_615 = tpu.memref_slice %arg5[%dma_start3A_613, %dma_start3A_614] : memref<1000000x64xf32, #tpu.memory_space<hbm>> -> memref<1000000x64xf32, #tpu.memory_space<hbm>>
        %dma_start3A_616 = tpu.memref_slice %arg15[%rem3A_330] : memref<2x!tpu.dma_semaphore, #tpu.memory_space<semaphore_mem>> -> memref<1x!tpu.dma_semaphore, #tpu.memory_space<semaphore_mem>>
        %dma_start3A_617 = tpu.memref_squeeze %dma_start3A_616 : memref<1x!tpu.dma_semaphore, #tpu.memory_space<semaphore_mem>> -> memref<!tpu.dma_semaphore, #tpu.memory_space<semaphore_mem>>
        tpu.enqueue_indirect_dma source(%dma_start3A_615 : memref<1000000x64xf32, #tpu.memory_space<hbm>>) target(%dma_start3A_609 : memref<128x64xf32, #tpu.memory_space<vmem>>) offsets(%dma_start3A_612 : memref<128xi32, #tpu.memory_space<vmem>>) semaphore(%dma_start3A_617 : memref<!tpu.dma_semaphore, #tpu.memory_space<semaphore_mem>>)
        %dma_start3A_618 = arith.constant 0 : i32
        %dma_start3A_619 = arith.constant 0 : i32
        %dma_start3A_620 = tpu.memref_slice %arg13[%rem3A_330, %dma_start3A_618, %dma_start3A_619] : memref<2x400x16xf32, #tpu.memory_space<vmem>> -> memref<1x128x16xf32, #tpu.memory_space<vmem>>
        %dma_start3A_621 = tpu.memref_squeeze %dma_start3A_620 : memref<1x128x16xf32, #tpu.memory_space<vmem>> -> memref<128x16xf32, #tpu.memory_space<vmem>>
        %dma_start3A_622 = arith.constant 0 : i32
        %dma_start3A_623 = tpu.memref_slice %arg10[%rem3A_330, %dma_start3A_622] : memref<2x400xi32, #tpu.memory_space<vmem>> -> memref<1x128xi32, #tpu.memory_space<vmem>>
        %dma_start3A_624 = tpu.memref_squeeze %dma_start3A_623 : memref<1x128xi32, #tpu.memory_space<vmem>> -> memref<128xi32, #tpu.memory_space<vmem>>
        %dma_start3A_625 = arith.constant 0 : i32
        %dma_start3A_626 = arith.constant 0 : i32
        %dma_start3A_627 = tpu.memref_slice %arg6[%dma_start3A_625, %dma_start3A_626] : memref<1600x16xf32, #tpu.memory_space<hbm>> -> memref<1600x16xf32, #tpu.memory_space<hbm>>
        %dma_start3A_628 = tpu.memref_slice %arg15[%rem3A_330] : memref<2x!tpu.dma_semaphore, #tpu.memory_space<semaphore_mem>> -> memref<1x!tpu.dma_semaphore, #tpu.memory_space<semaphore_mem>>
        %dma_start3A_629 = tpu.memref_squeeze %dma_start3A_628 : memref<1x!tpu.dma_semaphore, #tpu.memory_space<semaphore_mem>> -> memref<!tpu.dma_semaphore, #tpu.memory_space<semaphore_mem>>
        tpu.enqueue_indirect_dma source(%dma_start3A_627 : memref<1600x16xf32, #tpu.memory_space<hbm>>) target(%dma_start3A_621 : memref<128x16xf32, #tpu.memory_space<vmem>>) offsets(%dma_start3A_624 : memref<128xi32, #tpu.memory_space<vmem>>) semaphore(%dma_start3A_629 : memref<!tpu.dma_semaphore, #tpu.memory_space<semaphore_mem>>)
        %dma_start3A_630 = arith.constant 0 : i32
        %dma_start3A_631 = arith.constant 0 : i32
        %dma_start3A_632 = tpu.memref_slice %arg14[%rem3A_330, %dma_start3A_630, %dma_start3A_631] : memref<2x400x16xf32, #tpu.memory_space<vmem>> -> memref<1x128x16xf32, #tpu.memory_space<vmem>>
        %dma_start3A_633 = tpu.memref_squeeze %dma_start3A_632 : memref<1x128x16xf32, #tpu.memory_space<vmem>> -> memref<128x16xf32, #tpu.memory_space<vmem>>
        %dma_start3A_634 = arith.constant 0 : i32
        %dma_start3A_635 = tpu.memref_slice %arg11[%rem3A_330, %dma_start3A_634] : memref<2x400xi32, #tpu.memory_space<vmem>> -> memref<1x128xi32, #tpu.memory_space<vmem>>
        %dma_start3A_636 = tpu.memref_squeeze %dma_start3A_635 : memref<1x128xi32, #tpu.memory_space<vmem>> -> memref<128xi32, #tpu.memory_space<vmem>>
        %dma_start3A_637 = arith.constant 0 : i32
        %dma_start3A_638 = arith.constant 0 : i32
        %dma_start3A_639 = tpu.memref_slice %arg7[%dma_start3A_637, %dma_start3A_638] : memref<1600x16xf32, #tpu.memory_space<hbm>> -> memref<1600x16xf32, #tpu.memory_space<hbm>>
        %dma_start3A_640 = tpu.memref_slice %arg15[%rem3A_330] : memref<2x!tpu.dma_semaphore, #tpu.memory_space<semaphore_mem>> -> memref<1x!tpu.dma_semaphore, #tpu.memory_space<semaphore_mem>>
        %dma_start3A_641 = tpu.memref_squeeze %dma_start3A_640 : memref<1x!tpu.dma_semaphore, #tpu.memory_space<semaphore_mem>> -> memref<!tpu.dma_semaphore, #tpu.memory_space<semaphore_mem>>
        tpu.enqueue_indirect_dma source(%dma_start3A_639 : memref<1600x16xf32, #tpu.memory_space<hbm>>) target(%dma_start3A_633 : memref<128x16xf32, #tpu.memory_space<vmem>>) offsets(%dma_start3A_636 : memref<128xi32, #tpu.memory_space<vmem>>) semaphore(%dma_start3A_641 : memref<!tpu.dma_semaphore, #tpu.memory_space<semaphore_mem>>)
        %dma_start3A_642 = arith.constant 128 : i32
        %dma_start3A_643 = arith.constant 0 : i32
        %dma_start3A_644 = tpu.memref_slice %arg12[%rem3A_330, %dma_start3A_642, %dma_start3A_643] : memref<2x400x64xf32, #tpu.memory_space<vmem>> -> memref<1x128x64xf32, #tpu.memory_space<vmem>>
        %dma_start3A_645 = tpu.memref_squeeze %dma_start3A_644 : memref<1x128x64xf32, #tpu.memory_space<vmem>> -> memref<128x64xf32, #tpu.memory_space<vmem>>
        %dma_start3A_646 = arith.constant 128 : i32
        %dma_start3A_647 = tpu.memref_slice %arg9[%rem3A_330, %dma_start3A_646] : memref<2x400xi32, #tpu.memory_space<vmem>> -> memref<1x128xi32, #tpu.memory_space<vmem>>
        %dma_start3A_648 = tpu.memref_squeeze %dma_start3A_647 : memref<1x128xi32, #tpu.memory_space<vmem>> -> memref<128xi32, #tpu.memory_space<vmem>>
        %dma_start3A_649 = arith.constant 0 : i32
        %dma_start3A_650 = arith.constant 0 : i32
        %dma_start3A_651 = tpu.memref_slice %arg5[%dma_start3A_649, %dma_start3A_650] : memref<1000000x64xf32, #tpu.memory_space<hbm>> -> memref<1000000x64xf32, #tpu.memory_space<hbm>>
        %dma_start3A_652 = tpu.memref_slice %arg15[%rem3A_330] : memref<2x!tpu.dma_semaphore, #tpu.memory_space<semaphore_mem>> -> memref<1x!tpu.dma_semaphore, #tpu.memory_space<semaphore_mem>>
        %dma_start3A_653 = tpu.memref_squeeze %dma_start3A_652 : memref<1x!tpu.dma_semaphore, #tpu.memory_space<semaphore_mem>> -> memref<!tpu.dma_semaphore, #tpu.memory_space<semaphore_mem>>
        tpu.enqueue_indirect_dma source(%dma_start3A_651 : memref<1000000x64xf32, #tpu.memory_space<hbm>>) target(%dma_start3A_645 : memref<128x64xf32, #tpu.memory_space<vmem>>) offsets(%dma_start3A_648 : memref<128xi32, #tpu.memory_space<vmem>>) semaphore(%dma_start3A_653 : memref<!tpu.dma_semaphore, #tpu.memory_space<semaphore_mem>>)
        %dma_start3A_654 = arith.constant 128 : i32
        %dma_start3A_655 = arith.constant 0 : i32
        %dma_start3A_656 = tpu.memref_slice %arg13[%rem3A_330, %dma_start3A_654, %dma_start3A_655] : memref<2x400x16xf32, #tpu.memory_space<vmem>> -> memref<1x128x16xf32, #tpu.memory_space<vmem>>
        %dma_start3A_657 = tpu.memref_squeeze %dma_start3A_656 : memref<1x128x16xf32, #tpu.memory_space<vmem>> -> memref<128x16xf32, #tpu.memory_space<vmem>>
        %dma_start3A_658 = arith.constant 128 : i32
        %dma_start3A_659 = tpu.memref_slice %arg10[%rem3A_330, %dma_start3A_658] : memref<2x400xi32, #tpu.memory_space<vmem>> -> memref<1x128xi32, #tpu.memory_space<vmem>>
        %dma_start3A_660 = tpu.memref_squeeze %dma_start3A_659 : memref<1x128xi32, #tpu.memory_space<vmem>> -> memref<128xi32, #tpu.memory_space<vmem>>
        %dma_start3A_661 = arith.constant 0 : i32
        %dma_start3A_662 = arith.constant 0 : i32
        %dma_start3A_663 = tpu.memref_slice %arg6[%dma_start3A_661, %dma_start3A_662] : memref<1600x16xf32, #tpu.memory_space<hbm>> -> memref<1600x16xf32, #tpu.memory_space<hbm>>
        %dma_start3A_664 = tpu.memref_slice %arg15[%rem3A_330] : memref<2x!tpu.dma_semaphore, #tpu.memory_space<semaphore_mem>> -> memref<1x!tpu.dma_semaphore, #tpu.memory_space<semaphore_mem>>
        %dma_start3A_665 = tpu.memref_squeeze %dma_start3A_664 : memref<1x!tpu.dma_semaphore, #tpu.memory_space<semaphore_mem>> -> memref<!tpu.dma_semaphore, #tpu.memory_space<semaphore_mem>>
        tpu.enqueue_indirect_dma source(%dma_start3A_663 : memref<1600x16xf32, #tpu.memory_space<hbm>>) target(%dma_start3A_657 : memref<128x16xf32, #tpu.memory_space<vmem>>) offsets(%dma_start3A_660 : memref<128xi32, #tpu.memory_space<vmem>>) semaphore(%dma_start3A_665 : memref<!tpu.dma_semaphore, #tpu.memory_space<semaphore_mem>>)
        %dma_start3A_666 = arith.constant 128 : i32
        %dma_start3A_667 = arith.constant 0 : i32
        %dma_start3A_668 = tpu.memref_slice %arg14[%rem3A_330, %dma_start3A_666, %dma_start3A_667] : memref<2x400x16xf32, #tpu.memory_space<vmem>> -> memref<1x128x16xf32, #tpu.memory_space<vmem>>
        %dma_start3A_669 = tpu.memref_squeeze %dma_start3A_668 : memref<1x128x16xf32, #tpu.memory_space<vmem>> -> memref<128x16xf32, #tpu.memory_space<vmem>>
        %dma_start3A_670 = arith.constant 128 : i32
        %dma_start3A_671 = tpu.memref_slice %arg11[%rem3A_330, %dma_start3A_670] : memref<2x400xi32, #tpu.memory_space<vmem>> -> memref<1x128xi32, #tpu.memory_space<vmem>>
        %dma_start3A_672 = tpu.memref_squeeze %dma_start3A_671 : memref<1x128xi32, #tpu.memory_space<vmem>> -> memref<128xi32, #tpu.memory_space<vmem>>
        %dma_start3A_673 = arith.constant 0 : i32
        %dma_start3A_674 = arith.constant 0 : i32
        %dma_start3A_675 = tpu.memref_slice %arg7[%dma_start3A_673, %dma_start3A_674] : memref<1600x16xf32, #tpu.memory_space<hbm>> -> memref<1600x16xf32, #tpu.memory_space<hbm>>
        %dma_start3A_676 = tpu.memref_slice %arg15[%rem3A_330] : memref<2x!tpu.dma_semaphore, #tpu.memory_space<semaphore_mem>> -> memref<1x!tpu.dma_semaphore, #tpu.memory_space<semaphore_mem>>
        %dma_start3A_677 = tpu.memref_squeeze %dma_start3A_676 : memref<1x!tpu.dma_semaphore, #tpu.memory_space<semaphore_mem>> -> memref<!tpu.dma_semaphore, #tpu.memory_space<semaphore_mem>>
        tpu.enqueue_indirect_dma source(%dma_start3A_675 : memref<1600x16xf32, #tpu.memory_space<hbm>>) target(%dma_start3A_669 : memref<128x16xf32, #tpu.memory_space<vmem>>) offsets(%dma_start3A_672 : memref<128xi32, #tpu.memory_space<vmem>>) semaphore(%dma_start3A_677 : memref<!tpu.dma_semaphore, #tpu.memory_space<semaphore_mem>>)
        %dma_start3A_678 = arith.constant 256 : i32
        %dma_start3A_679 = arith.constant 0 : i32
        %dma_start3A_680 = tpu.memref_slice %arg12[%rem3A_330, %dma_start3A_678, %dma_start3A_679] : memref<2x400x64xf32, #tpu.memory_space<vmem>> -> memref<1x128x64xf32, #tpu.memory_space<vmem>>
        %dma_start3A_681 = tpu.memref_squeeze %dma_start3A_680 : memref<1x128x64xf32, #tpu.memory_space<vmem>> -> memref<128x64xf32, #tpu.memory_space<vmem>>
        %dma_start3A_682 = arith.constant 256 : i32
        %dma_start3A_683 = tpu.memref_slice %arg9[%rem3A_330, %dma_start3A_682] : memref<2x400xi32, #tpu.memory_space<vmem>> -> memref<1x128xi32, #tpu.memory_space<vmem>>
        %dma_start3A_684 = tpu.memref_squeeze %dma_start3A_683 : memref<1x128xi32, #tpu.memory_space<vmem>> -> memref<128xi32, #tpu.memory_space<vmem>>
        %dma_start3A_685 = arith.constant 0 : i32
        %dma_start3A_686 = arith.constant 0 : i32
        %dma_start3A_687 = tpu.memref_slice %arg5[%dma_start3A_685, %dma_start3A_686] : memref<1000000x64xf32, #tpu.memory_space<hbm>> -> memref<1000000x64xf32, #tpu.memory_space<hbm>>
        %dma_start3A_688 = tpu.memref_slice %arg15[%rem3A_330] : memref<2x!tpu.dma_semaphore, #tpu.memory_space<semaphore_mem>> -> memref<1x!tpu.dma_semaphore, #tpu.memory_space<semaphore_mem>>
        %dma_start3A_689 = tpu.memref_squeeze %dma_start3A_688 : memref<1x!tpu.dma_semaphore, #tpu.memory_space<semaphore_mem>> -> memref<!tpu.dma_semaphore, #tpu.memory_space<semaphore_mem>>
        tpu.enqueue_indirect_dma source(%dma_start3A_687 : memref<1000000x64xf32, #tpu.memory_space<hbm>>) target(%dma_start3A_681 : memref<128x64xf32, #tpu.memory_space<vmem>>) offsets(%dma_start3A_684 : memref<128xi32, #tpu.memory_space<vmem>>) semaphore(%dma_start3A_689 : memref<!tpu.dma_semaphore, #tpu.memory_space<semaphore_mem>>)
        %dma_start3A_690 = arith.constant 256 : i32
        %dma_start3A_691 = arith.constant 0 : i32
        %dma_start3A_692 = tpu.memref_slice %arg13[%rem3A_330, %dma_start3A_690, %dma_start3A_691] : memref<2x400x16xf32, #tpu.memory_space<vmem>> -> memref<1x128x16xf32, #tpu.memory_space<vmem>>
        %dma_start3A_693 = tpu.memref_squeeze %dma_start3A_692 : memref<1x128x16xf32, #tpu.memory_space<vmem>> -> memref<128x16xf32, #tpu.memory_space<vmem>>
        %dma_start3A_694 = arith.constant 256 : i32
        %dma_start3A_695 = tpu.memref_slice %arg10[%rem3A_330, %dma_start3A_694] : memref<2x400xi32, #tpu.memory_space<vmem>> -> memref<1x128xi32, #tpu.memory_space<vmem>>
        %dma_start3A_696 = tpu.memref_squeeze %dma_start3A_695 : memref<1x128xi32, #tpu.memory_space<vmem>> -> memref<128xi32, #tpu.memory_space<vmem>>
        %dma_start3A_697 = arith.constant 0 : i32
        %dma_start3A_698 = arith.constant 0 : i32
        %dma_start3A_699 = tpu.memref_slice %arg6[%dma_start3A_697, %dma_start3A_698] : memref<1600x16xf32, #tpu.memory_space<hbm>> -> memref<1600x16xf32, #tpu.memory_space<hbm>>
        %dma_start3A_700 = tpu.memref_slice %arg15[%rem3A_330] : memref<2x!tpu.dma_semaphore, #tpu.memory_space<semaphore_mem>> -> memref<1x!tpu.dma_semaphore, #tpu.memory_space<semaphore_mem>>
        %dma_start3A_701 = tpu.memref_squeeze %dma_start3A_700 : memref<1x!tpu.dma_semaphore, #tpu.memory_space<semaphore_mem>> -> memref<!tpu.dma_semaphore, #tpu.memory_space<semaphore_mem>>
        tpu.enqueue_indirect_dma source(%dma_start3A_699 : memref<1600x16xf32, #tpu.memory_space<hbm>>) target(%dma_start3A_693 : memref<128x16xf32, #tpu.memory_space<vmem>>) offsets(%dma_start3A_696 : memref<128xi32, #tpu.memory_space<vmem>>) semaphore(%dma_start3A_701 : memref<!tpu.dma_semaphore, #tpu.memory_space<semaphore_mem>>)
        %dma_start3A_702 = arith.constant 256 : i32
        %dma_start3A_703 = arith.constant 0 : i32
        %dma_start3A_704 = tpu.memref_slice %arg14[%rem3A_330, %dma_start3A_702, %dma_start3A_703] : memref<2x400x16xf32, #tpu.memory_space<vmem>> -> memref<1x128x16xf32, #tpu.memory_space<vmem>>
        %dma_start3A_705 = tpu.memref_squeeze %dma_start3A_704 : memref<1x128x16xf32, #tpu.memory_space<vmem>> -> memref<128x16xf32, #tpu.memory_space<vmem>>
        %dma_start3A_706 = arith.constant 256 : i32
        %dma_start3A_707 = tpu.memref_slice %arg11[%rem3A_330, %dma_start3A_706] : memref<2x400xi32, #tpu.memory_space<vmem>> -> memref<1x128xi32, #tpu.memory_space<vmem>>
        %dma_start3A_708 = tpu.memref_squeeze %dma_start3A_707 : memref<1x128xi32, #tpu.memory_space<vmem>> -> memref<128xi32, #tpu.memory_space<vmem>>
        %dma_start3A_709 = arith.constant 0 : i32
        %dma_start3A_710 = arith.constant 0 : i32
        %dma_start3A_711 = tpu.memref_slice %arg7[%dma_start3A_709, %dma_start3A_710] : memref<1600x16xf32, #tpu.memory_space<hbm>> -> memref<1600x16xf32, #tpu.memory_space<hbm>>
        %dma_start3A_712 = tpu.memref_slice %arg15[%rem3A_330] : memref<2x!tpu.dma_semaphore, #tpu.memory_space<semaphore_mem>> -> memref<1x!tpu.dma_semaphore, #tpu.memory_space<semaphore_mem>>
        %dma_start3A_713 = tpu.memref_squeeze %dma_start3A_712 : memref<1x!tpu.dma_semaphore, #tpu.memory_space<semaphore_mem>> -> memref<!tpu.dma_semaphore, #tpu.memory_space<semaphore_mem>>
        tpu.enqueue_indirect_dma source(%dma_start3A_711 : memref<1600x16xf32, #tpu.memory_space<hbm>>) target(%dma_start3A_705 : memref<128x16xf32, #tpu.memory_space<vmem>>) offsets(%dma_start3A_708 : memref<128xi32, #tpu.memory_space<vmem>>) semaphore(%dma_start3A_713 : memref<!tpu.dma_semaphore, #tpu.memory_space<semaphore_mem>>)
        %dma_start3A_714 = arith.constant 384 : i32
        %dma_start3A_715 = arith.constant 0 : i32
        %dma_start3A_716 = tpu.memref_slice %arg12[%rem3A_330, %dma_start3A_714, %dma_start3A_715] : memref<2x400x64xf32, #tpu.memory_space<vmem>> -> memref<1x16x64xf32, #tpu.memory_space<vmem>>
        %dma_start3A_717 = tpu.memref_squeeze %dma_start3A_716 : memref<1x16x64xf32, #tpu.memory_space<vmem>> -> memref<16x64xf32, #tpu.memory_space<vmem>>
        %dma_start3A_718 = arith.constant 384 : i32
        %dma_start3A_719 = tpu.memref_slice %arg9[%rem3A_330, %dma_start3A_718] : memref<2x400xi32, #tpu.memory_space<vmem>> -> memref<1x16xi32, #tpu.memory_space<vmem>>
        %dma_start3A_720 = tpu.memref_squeeze %dma_start3A_719 : memref<1x16xi32, #tpu.memory_space<vmem>> -> memref<16xi32, #tpu.memory_space<vmem>>
        %dma_start3A_721 = arith.constant 0 : i32
        %dma_start3A_722 = arith.constant 0 : i32
        %dma_start3A_723 = tpu.memref_slice %arg5[%dma_start3A_721, %dma_start3A_722] : memref<1000000x64xf32, #tpu.memory_space<hbm>> -> memref<1000000x64xf32, #tpu.memory_space<hbm>>
        %dma_start3A_724 = tpu.memref_slice %arg15[%rem3A_330] : memref<2x!tpu.dma_semaphore, #tpu.memory_space<semaphore_mem>> -> memref<1x!tpu.dma_semaphore, #tpu.memory_space<semaphore_mem>>
        %dma_start3A_725 = tpu.memref_squeeze %dma_start3A_724 : memref<1x!tpu.dma_semaphore, #tpu.memory_space<semaphore_mem>> -> memref<!tpu.dma_semaphore, #tpu.memory_space<semaphore_mem>>
        tpu.enqueue_indirect_dma source(%dma_start3A_723 : memref<1000000x64xf32, #tpu.memory_space<hbm>>) target(%dma_start3A_717 : memref<16x64xf32, #tpu.memory_space<vmem>>) offsets(%dma_start3A_720 : memref<16xi32, #tpu.memory_space<vmem>>) semaphore(%dma_start3A_725 : memref<!tpu.dma_semaphore, #tpu.memory_space<semaphore_mem>>)
        %dma_start3A_726 = arith.constant 384 : i32
        %dma_start3A_727 = arith.constant 0 : i32
        %dma_start3A_728 = tpu.memref_slice %arg13[%rem3A_330, %dma_start3A_726, %dma_start3A_727] : memref<2x400x16xf32, #tpu.memory_space<vmem>> -> memref<1x16x16xf32, #tpu.memory_space<vmem>>
        %dma_start3A_729 = tpu.memref_squeeze %dma_start3A_728 : memref<1x16x16xf32, #tpu.memory_space<vmem>> -> memref<16x16xf32, #tpu.memory_space<vmem>>
        %dma_start3A_730 = arith.constant 384 : i32
        %dma_start3A_731 = tpu.memref_slice %arg10[%rem3A_330, %dma_start3A_730] : memref<2x400xi32, #tpu.memory_space<vmem>> -> memref<1x16xi32, #tpu.memory_space<vmem>>
        %dma_start3A_732 = tpu.memref_squeeze %dma_start3A_731 : memref<1x16xi32, #tpu.memory_space<vmem>> -> memref<16xi32, #tpu.memory_space<vmem>>
        %dma_start3A_733 = arith.constant 0 : i32
        %dma_start3A_734 = arith.constant 0 : i32
        %dma_start3A_735 = tpu.memref_slice %arg6[%dma_start3A_733, %dma_start3A_734] : memref<1600x16xf32, #tpu.memory_space<hbm>> -> memref<1600x16xf32, #tpu.memory_space<hbm>>
        %dma_start3A_736 = tpu.memref_slice %arg15[%rem3A_330] : memref<2x!tpu.dma_semaphore, #tpu.memory_space<semaphore_mem>> -> memref<1x!tpu.dma_semaphore, #tpu.memory_space<semaphore_mem>>
        %dma_start3A_737 = tpu.memref_squeeze %dma_start3A_736 : memref<1x!tpu.dma_semaphore, #tpu.memory_space<semaphore_mem>> -> memref<!tpu.dma_semaphore, #tpu.memory_space<semaphore_mem>>
        tpu.enqueue_indirect_dma source(%dma_start3A_735 : memref<1600x16xf32, #tpu.memory_space<hbm>>) target(%dma_start3A_729 : memref<16x16xf32, #tpu.memory_space<vmem>>) offsets(%dma_start3A_732 : memref<16xi32, #tpu.memory_space<vmem>>) semaphore(%dma_start3A_737 : memref<!tpu.dma_semaphore, #tpu.memory_space<semaphore_mem>>)
        %dma_start3A_738 = arith.constant 384 : i32
        %dma_start3A_739 = arith.constant 0 : i32
        %dma_start3A_740 = tpu.memref_slice %arg14[%rem3A_330, %dma_start3A_738, %dma_start3A_739] : memref<2x400x16xf32, #tpu.memory_space<vmem>> -> memref<1x16x16xf32, #tpu.memory_space<vmem>>
        %dma_start3A_741 = tpu.memref_squeeze %dma_start3A_740 : memref<1x16x16xf32, #tpu.memory_space<vmem>> -> memref<16x16xf32, #tpu.memory_space<vmem>>
        %dma_start3A_742 = arith.constant 384 : i32
        %dma_start3A_743 = tpu.memref_slice %arg11[%rem3A_330, %dma_start3A_742] : memref<2x400xi32, #tpu.memory_space<vmem>> -> memref<1x16xi32, #tpu.memory_space<vmem>>
        %dma_start3A_744 = tpu.memref_squeeze %dma_start3A_743 : memref<1x16xi32, #tpu.memory_space<vmem>> -> memref<16xi32, #tpu.memory_space<vmem>>
        %dma_start3A_745 = arith.constant 0 : i32
        %dma_start3A_746 = arith.constant 0 : i32
        %dma_start3A_747 = tpu.memref_slice %arg7[%dma_start3A_745, %dma_start3A_746] : memref<1600x16xf32, #tpu.memory_space<hbm>> -> memref<1600x16xf32, #tpu.memory_space<hbm>>
        %dma_start3A_748 = tpu.memref_slice %arg15[%rem3A_330] : memref<2x!tpu.dma_semaphore, #tpu.memory_space<semaphore_mem>> -> memref<1x!tpu.dma_semaphore, #tpu.memory_space<semaphore_mem>>
        %dma_start3A_749 = tpu.memref_squeeze %dma_start3A_748 : memref<1x!tpu.dma_semaphore, #tpu.memory_space<semaphore_mem>> -> memref<!tpu.dma_semaphore, #tpu.memory_space<semaphore_mem>>
        tpu.enqueue_indirect_dma source(%dma_start3A_747 : memref<1600x16xf32, #tpu.memory_space<hbm>>) target(%dma_start3A_741 : memref<16x16xf32, #tpu.memory_space<vmem>>) offsets(%dma_start3A_744 : memref<16xi32, #tpu.memory_space<vmem>>) semaphore(%dma_start3A_749 : memref<!tpu.dma_semaphore, #tpu.memory_space<semaphore_mem>>)
      } else {
      }
      %dma_wait3A_339 = arith.constant 0 : i32
      %dma_wait3A_340 = arith.constant 0 : i32
      %dma_wait3A_341 = tpu.memref_slice %arg12[%rem3A_326, %dma_wait3A_339, %dma_wait3A_340] : memref<2x400x64xf32, #tpu.memory_space<vmem>> -> memref<1x128x64xf32, #tpu.memory_space<vmem>>
      %dma_wait3A_342 = tpu.memref_squeeze %dma_wait3A_341 : memref<1x128x64xf32, #tpu.memory_space<vmem>> -> memref<128x64xf32, #tpu.memory_space<vmem>>
      %dma_wait3A_343 = arith.constant 0 : i32
      %dma_wait3A_344 = tpu.memref_slice %arg9[%rem3A_326, %dma_wait3A_343] : memref<2x400xi32, #tpu.memory_space<vmem>> -> memref<1x128xi32, #tpu.memory_space<vmem>>
      %dma_wait3A_345 = tpu.memref_squeeze %dma_wait3A_344 : memref<1x128xi32, #tpu.memory_space<vmem>> -> memref<128xi32, #tpu.memory_space<vmem>>
      %dma_wait3A_346 = arith.constant 0 : i32
      %dma_wait3A_347 = arith.constant 0 : i32
      %dma_wait3A_348 = tpu.memref_slice %arg5[%dma_wait3A_346, %dma_wait3A_347] : memref<1000000x64xf32, #tpu.memory_space<hbm>> -> memref<1000000x64xf32, #tpu.memory_space<hbm>>
      %dma_wait3A_349 = tpu.memref_slice %arg15[%rem3A_326] : memref<2x!tpu.dma_semaphore, #tpu.memory_space<semaphore_mem>> -> memref<1x!tpu.dma_semaphore, #tpu.memory_space<semaphore_mem>>
      %dma_wait3A_350 = tpu.memref_squeeze %dma_wait3A_349 : memref<1x!tpu.dma_semaphore, #tpu.memory_space<semaphore_mem>> -> memref<!tpu.dma_semaphore, #tpu.memory_space<semaphore_mem>>
      tpu.wait_indirect_dma semaphore(%dma_wait3A_350 : memref<!tpu.dma_semaphore, #tpu.memory_space<semaphore_mem>>) src(%dma_wait3A_348 : memref<1000000x64xf32, #tpu.memory_space<hbm>>) dst(%dma_wait3A_342 : memref<128x64xf32, #tpu.memory_space<vmem>>)
      %dma_wait3A_351 = arith.constant 0 : i32
      %dma_wait3A_352 = arith.constant 0 : i32
      %dma_wait3A_353 = tpu.memref_slice %arg13[%rem3A_326, %dma_wait3A_351, %dma_wait3A_352] : memref<2x400x16xf32, #tpu.memory_space<vmem>> -> memref<1x128x16xf32, #tpu.memory_space<vmem>>
      %dma_wait3A_354 = tpu.memref_squeeze %dma_wait3A_353 : memref<1x128x16xf32, #tpu.memory_space<vmem>> -> memref<128x16xf32, #tpu.memory_space<vmem>>
      %dma_wait3A_355 = arith.constant 0 : i32
      %dma_wait3A_356 = tpu.memref_slice %arg10[%rem3A_326, %dma_wait3A_355] : memref<2x400xi32, #tpu.memory_space<vmem>> -> memref<1x128xi32, #tpu.memory_space<vmem>>
      %dma_wait3A_357 = tpu.memref_squeeze %dma_wait3A_356 : memref<1x128xi32, #tpu.memory_space<vmem>> -> memref<128xi32, #tpu.memory_space<vmem>>
      %dma_wait3A_358 = arith.constant 0 : i32
      %dma_wait3A_359 = arith.constant 0 : i32
      %dma_wait3A_360 = tpu.memref_slice %arg6[%dma_wait3A_358, %dma_wait3A_359] : memref<1600x16xf32, #tpu.memory_space<hbm>> -> memref<1600x16xf32, #tpu.memory_space<hbm>>
      %dma_wait3A_361 = tpu.memref_slice %arg15[%rem3A_326] : memref<2x!tpu.dma_semaphore, #tpu.memory_space<semaphore_mem>> -> memref<1x!tpu.dma_semaphore, #tpu.memory_space<semaphore_mem>>
      %dma_wait3A_362 = tpu.memref_squeeze %dma_wait3A_361 : memref<1x!tpu.dma_semaphore, #tpu.memory_space<semaphore_mem>> -> memref<!tpu.dma_semaphore, #tpu.memory_space<semaphore_mem>>
      tpu.wait_indirect_dma semaphore(%dma_wait3A_362 : memref<!tpu.dma_semaphore, #tpu.memory_space<semaphore_mem>>) src(%dma_wait3A_360 : memref<1600x16xf32, #tpu.memory_space<hbm>>) dst(%dma_wait3A_354 : memref<128x16xf32, #tpu.memory_space<vmem>>)
      %dma_wait3A_363 = arith.constant 0 : i32
      %dma_wait3A_364 = arith.constant 0 : i32
      %dma_wait3A_365 = tpu.memref_slice %arg14[%rem3A_326, %dma_wait3A_363, %dma_wait3A_364] : memref<2x400x16xf32, #tpu.memory_space<vmem>> -> memref<1x128x16xf32, #tpu.memory_space<vmem>>
      %dma_wait3A_366 = tpu.memref_squeeze %dma_wait3A_365 : memref<1x128x16xf32, #tpu.memory_space<vmem>> -> memref<128x16xf32, #tpu.memory_space<vmem>>
      %dma_wait3A_367 = arith.constant 0 : i32
      %dma_wait3A_368 = tpu.memref_slice %arg11[%rem3A_326, %dma_wait3A_367] : memref<2x400xi32, #tpu.memory_space<vmem>> -> memref<1x128xi32, #tpu.memory_space<vmem>>
      %dma_wait3A_369 = tpu.memref_squeeze %dma_wait3A_368 : memref<1x128xi32, #tpu.memory_space<vmem>> -> memref<128xi32, #tpu.memory_space<vmem>>
      %dma_wait3A_370 = arith.constant 0 : i32
      %dma_wait3A_371 = arith.constant 0 : i32
      %dma_wait3A_372 = tpu.memref_slice %arg7[%dma_wait3A_370, %dma_wait3A_371] : memref<1600x16xf32, #tpu.memory_space<hbm>> -> memref<1600x16xf32, #tpu.memory_space<hbm>>
      %dma_wait3A_373 = tpu.memref_slice %arg15[%rem3A_326] : memref<2x!tpu.dma_semaphore, #tpu.memory_space<semaphore_mem>> -> memref<1x!tpu.dma_semaphore, #tpu.memory_space<semaphore_mem>>
      %dma_wait3A_374 = tpu.memref_squeeze %dma_wait3A_373 : memref<1x!tpu.dma_semaphore, #tpu.memory_space<semaphore_mem>> -> memref<!tpu.dma_semaphore, #tpu.memory_space<semaphore_mem>>
      tpu.wait_indirect_dma semaphore(%dma_wait3A_374 : memref<!tpu.dma_semaphore, #tpu.memory_space<semaphore_mem>>) src(%dma_wait3A_372 : memref<1600x16xf32, #tpu.memory_space<hbm>>) dst(%dma_wait3A_366 : memref<128x16xf32, #tpu.memory_space<vmem>>)
      %dma_wait3A_375 = arith.constant 128 : i32
      %dma_wait3A_376 = arith.constant 0 : i32
      %dma_wait3A_377 = tpu.memref_slice %arg12[%rem3A_326, %dma_wait3A_375, %dma_wait3A_376] : memref<2x400x64xf32, #tpu.memory_space<vmem>> -> memref<1x128x64xf32, #tpu.memory_space<vmem>>
      %dma_wait3A_378 = tpu.memref_squeeze %dma_wait3A_377 : memref<1x128x64xf32, #tpu.memory_space<vmem>> -> memref<128x64xf32, #tpu.memory_space<vmem>>
      %dma_wait3A_379 = arith.constant 128 : i32
      %dma_wait3A_380 = tpu.memref_slice %arg9[%rem3A_326, %dma_wait3A_379] : memref<2x400xi32, #tpu.memory_space<vmem>> -> memref<1x128xi32, #tpu.memory_space<vmem>>
      %dma_wait3A_381 = tpu.memref_squeeze %dma_wait3A_380 : memref<1x128xi32, #tpu.memory_space<vmem>> -> memref<128xi32, #tpu.memory_space<vmem>>
      %dma_wait3A_382 = arith.constant 0 : i32
      %dma_wait3A_383 = arith.constant 0 : i32
      %dma_wait3A_384 = tpu.memref_slice %arg5[%dma_wait3A_382, %dma_wait3A_383] : memref<1000000x64xf32, #tpu.memory_space<hbm>> -> memref<1000000x64xf32, #tpu.memory_space<hbm>>
      %dma_wait3A_385 = tpu.memref_slice %arg15[%rem3A_326] : memref<2x!tpu.dma_semaphore, #tpu.memory_space<semaphore_mem>> -> memref<1x!tpu.dma_semaphore, #tpu.memory_space<semaphore_mem>>
      %dma_wait3A_386 = tpu.memref_squeeze %dma_wait3A_385 : memref<1x!tpu.dma_semaphore, #tpu.memory_space<semaphore_mem>> -> memref<!tpu.dma_semaphore, #tpu.memory_space<semaphore_mem>>
      tpu.wait_indirect_dma semaphore(%dma_wait3A_386 : memref<!tpu.dma_semaphore, #tpu.memory_space<semaphore_mem>>) src(%dma_wait3A_384 : memref<1000000x64xf32, #tpu.memory_space<hbm>>) dst(%dma_wait3A_378 : memref<128x64xf32, #tpu.memory_space<vmem>>)
      %dma_wait3A_387 = arith.constant 128 : i32
      %dma_wait3A_388 = arith.constant 0 : i32
      %dma_wait3A_389 = tpu.memref_slice %arg13[%rem3A_326, %dma_wait3A_387, %dma_wait3A_388] : memref<2x400x16xf32, #tpu.memory_space<vmem>> -> memref<1x128x16xf32, #tpu.memory_space<vmem>>
      %dma_wait3A_390 = tpu.memref_squeeze %dma_wait3A_389 : memref<1x128x16xf32, #tpu.memory_space<vmem>> -> memref<128x16xf32, #tpu.memory_space<vmem>>
      %dma_wait3A_391 = arith.constant 128 : i32
      %dma_wait3A_392 = tpu.memref_slice %arg10[%rem3A_326, %dma_wait3A_391] : memref<2x400xi32, #tpu.memory_space<vmem>> -> memref<1x128xi32, #tpu.memory_space<vmem>>
      %dma_wait3A_393 = tpu.memref_squeeze %dma_wait3A_392 : memref<1x128xi32, #tpu.memory_space<vmem>> -> memref<128xi32, #tpu.memory_space<vmem>>
      %dma_wait3A_394 = arith.constant 0 : i32
      %dma_wait3A_395 = arith.constant 0 : i32
      %dma_wait3A_396 = tpu.memref_slice %arg6[%dma_wait3A_394, %dma_wait3A_395] : memref<1600x16xf32, #tpu.memory_space<hbm>> -> memref<1600x16xf32, #tpu.memory_space<hbm>>
      %dma_wait3A_397 = tpu.memref_slice %arg15[%rem3A_326] : memref<2x!tpu.dma_semaphore, #tpu.memory_space<semaphore_mem>> -> memref<1x!tpu.dma_semaphore, #tpu.memory_space<semaphore_mem>>
      %dma_wait3A_398 = tpu.memref_squeeze %dma_wait3A_397 : memref<1x!tpu.dma_semaphore, #tpu.memory_space<semaphore_mem>> -> memref<!tpu.dma_semaphore, #tpu.memory_space<semaphore_mem>>
      tpu.wait_indirect_dma semaphore(%dma_wait3A_398 : memref<!tpu.dma_semaphore, #tpu.memory_space<semaphore_mem>>) src(%dma_wait3A_396 : memref<1600x16xf32, #tpu.memory_space<hbm>>) dst(%dma_wait3A_390 : memref<128x16xf32, #tpu.memory_space<vmem>>)
      %dma_wait3A_399 = arith.constant 128 : i32
      %dma_wait3A_400 = arith.constant 0 : i32
      %dma_wait3A_401 = tpu.memref_slice %arg14[%rem3A_326, %dma_wait3A_399, %dma_wait3A_400] : memref<2x400x16xf32, #tpu.memory_space<vmem>> -> memref<1x128x16xf32, #tpu.memory_space<vmem>>
      %dma_wait3A_402 = tpu.memref_squeeze %dma_wait3A_401 : memref<1x128x16xf32, #tpu.memory_space<vmem>> -> memref<128x16xf32, #tpu.memory_space<vmem>>
      %dma_wait3A_403 = arith.constant 128 : i32
      %dma_wait3A_404 = tpu.memref_slice %arg11[%rem3A_326, %dma_wait3A_403] : memref<2x400xi32, #tpu.memory_space<vmem>> -> memref<1x128xi32, #tpu.memory_space<vmem>>
      %dma_wait3A_405 = tpu.memref_squeeze %dma_wait3A_404 : memref<1x128xi32, #tpu.memory_space<vmem>> -> memref<128xi32, #tpu.memory_space<vmem>>
      %dma_wait3A_406 = arith.constant 0 : i32
      %dma_wait3A_407 = arith.constant 0 : i32
      %dma_wait3A_408 = tpu.memref_slice %arg7[%dma_wait3A_406, %dma_wait3A_407] : memref<1600x16xf32, #tpu.memory_space<hbm>> -> memref<1600x16xf32, #tpu.memory_space<hbm>>
      %dma_wait3A_409 = tpu.memref_slice %arg15[%rem3A_326] : memref<2x!tpu.dma_semaphore, #tpu.memory_space<semaphore_mem>> -> memref<1x!tpu.dma_semaphore, #tpu.memory_space<semaphore_mem>>
      %dma_wait3A_410 = tpu.memref_squeeze %dma_wait3A_409 : memref<1x!tpu.dma_semaphore, #tpu.memory_space<semaphore_mem>> -> memref<!tpu.dma_semaphore, #tpu.memory_space<semaphore_mem>>
      tpu.wait_indirect_dma semaphore(%dma_wait3A_410 : memref<!tpu.dma_semaphore, #tpu.memory_space<semaphore_mem>>) src(%dma_wait3A_408 : memref<1600x16xf32, #tpu.memory_space<hbm>>) dst(%dma_wait3A_402 : memref<128x16xf32, #tpu.memory_space<vmem>>)
      %dma_wait3A_411 = arith.constant 256 : i32
      %dma_wait3A_412 = arith.constant 0 : i32
      %dma_wait3A_413 = tpu.memref_slice %arg12[%rem3A_326, %dma_wait3A_411, %dma_wait3A_412] : memref<2x400x64xf32, #tpu.memory_space<vmem>> -> memref<1x128x64xf32, #tpu.memory_space<vmem>>
      %dma_wait3A_414 = tpu.memref_squeeze %dma_wait3A_413 : memref<1x128x64xf32, #tpu.memory_space<vmem>> -> memref<128x64xf32, #tpu.memory_space<vmem>>
      %dma_wait3A_415 = arith.constant 256 : i32
      %dma_wait3A_416 = tpu.memref_slice %arg9[%rem3A_326, %dma_wait3A_415] : memref<2x400xi32, #tpu.memory_space<vmem>> -> memref<1x128xi32, #tpu.memory_space<vmem>>
      %dma_wait3A_417 = tpu.memref_squeeze %dma_wait3A_416 : memref<1x128xi32, #tpu.memory_space<vmem>> -> memref<128xi32, #tpu.memory_space<vmem>>
      %dma_wait3A_418 = arith.constant 0 : i32
      %dma_wait3A_419 = arith.constant 0 : i32
      %dma_wait3A_420 = tpu.memref_slice %arg5[%dma_wait3A_418, %dma_wait3A_419] : memref<1000000x64xf32, #tpu.memory_space<hbm>> -> memref<1000000x64xf32, #tpu.memory_space<hbm>>
      %dma_wait3A_421 = tpu.memref_slice %arg15[%rem3A_326] : memref<2x!tpu.dma_semaphore, #tpu.memory_space<semaphore_mem>> -> memref<1x!tpu.dma_semaphore, #tpu.memory_space<semaphore_mem>>
      %dma_wait3A_422 = tpu.memref_squeeze %dma_wait3A_421 : memref<1x!tpu.dma_semaphore, #tpu.memory_space<semaphore_mem>> -> memref<!tpu.dma_semaphore, #tpu.memory_space<semaphore_mem>>
      tpu.wait_indirect_dma semaphore(%dma_wait3A_422 : memref<!tpu.dma_semaphore, #tpu.memory_space<semaphore_mem>>) src(%dma_wait3A_420 : memref<1000000x64xf32, #tpu.memory_space<hbm>>) dst(%dma_wait3A_414 : memref<128x64xf32, #tpu.memory_space<vmem>>)
      %dma_wait3A_423 = arith.constant 256 : i32
      %dma_wait3A_424 = arith.constant 0 : i32
      %dma_wait3A_425 = tpu.memref_slice %arg13[%rem3A_326, %dma_wait3A_423, %dma_wait3A_424] : memref<2x400x16xf32, #tpu.memory_space<vmem>> -> memref<1x128x16xf32, #tpu.memory_space<vmem>>
      %dma_wait3A_426 = tpu.memref_squeeze %dma_wait3A_425 : memref<1x128x16xf32, #tpu.memory_space<vmem>> -> memref<128x16xf32, #tpu.memory_space<vmem>>
      %dma_wait3A_427 = arith.constant 256 : i32
      %dma_wait3A_428 = tpu.memref_slice %arg10[%rem3A_326, %dma_wait3A_427] : memref<2x400xi32, #tpu.memory_space<vmem>> -> memref<1x128xi32, #tpu.memory_space<vmem>>
      %dma_wait3A_429 = tpu.memref_squeeze %dma_wait3A_428 : memref<1x128xi32, #tpu.memory_space<vmem>> -> memref<128xi32, #tpu.memory_space<vmem>>
      %dma_wait3A_430 = arith.constant 0 : i32
      %dma_wait3A_431 = arith.constant 0 : i32
      %dma_wait3A_432 = tpu.memref_slice %arg6[%dma_wait3A_430, %dma_wait3A_431] : memref<1600x16xf32, #tpu.memory_space<hbm>> -> memref<1600x16xf32, #tpu.memory_space<hbm>>
      %dma_wait3A_433 = tpu.memref_slice %arg15[%rem3A_326] : memref<2x!tpu.dma_semaphore, #tpu.memory_space<semaphore_mem>> -> memref<1x!tpu.dma_semaphore, #tpu.memory_space<semaphore_mem>>
      %dma_wait3A_434 = tpu.memref_squeeze %dma_wait3A_433 : memref<1x!tpu.dma_semaphore, #tpu.memory_space<semaphore_mem>> -> memref<!tpu.dma_semaphore, #tpu.memory_space<semaphore_mem>>
      tpu.wait_indirect_dma semaphore(%dma_wait3A_434 : memref<!tpu.dma_semaphore, #tpu.memory_space<semaphore_mem>>) src(%dma_wait3A_432 : memref<1600x16xf32, #tpu.memory_space<hbm>>) dst(%dma_wait3A_426 : memref<128x16xf32, #tpu.memory_space<vmem>>)
      %dma_wait3A_435 = arith.constant 256 : i32
      %dma_wait3A_436 = arith.constant 0 : i32
      %dma_wait3A_437 = tpu.memref_slice %arg14[%rem3A_326, %dma_wait3A_435, %dma_wait3A_436] : memref<2x400x16xf32, #tpu.memory_space<vmem>> -> memref<1x128x16xf32, #tpu.memory_space<vmem>>
      %dma_wait3A_438 = tpu.memref_squeeze %dma_wait3A_437 : memref<1x128x16xf32, #tpu.memory_space<vmem>> -> memref<128x16xf32, #tpu.memory_space<vmem>>
      %dma_wait3A_439 = arith.constant 256 : i32
      %dma_wait3A_440 = tpu.memref_slice %arg11[%rem3A_326, %dma_wait3A_439] : memref<2x400xi32, #tpu.memory_space<vmem>> -> memref<1x128xi32, #tpu.memory_space<vmem>>
      %dma_wait3A_441 = tpu.memref_squeeze %dma_wait3A_440 : memref<1x128xi32, #tpu.memory_space<vmem>> -> memref<128xi32, #tpu.memory_space<vmem>>
      %dma_wait3A_442 = arith.constant 0 : i32
      %dma_wait3A_443 = arith.constant 0 : i32
      %dma_wait3A_444 = tpu.memref_slice %arg7[%dma_wait3A_442, %dma_wait3A_443] : memref<1600x16xf32, #tpu.memory_space<hbm>> -> memref<1600x16xf32, #tpu.memory_space<hbm>>
      %dma_wait3A_445 = tpu.memref_slice %arg15[%rem3A_326] : memref<2x!tpu.dma_semaphore, #tpu.memory_space<semaphore_mem>> -> memref<1x!tpu.dma_semaphore, #tpu.memory_space<semaphore_mem>>
      %dma_wait3A_446 = tpu.memref_squeeze %dma_wait3A_445 : memref<1x!tpu.dma_semaphore, #tpu.memory_space<semaphore_mem>> -> memref<!tpu.dma_semaphore, #tpu.memory_space<semaphore_mem>>
      tpu.wait_indirect_dma semaphore(%dma_wait3A_446 : memref<!tpu.dma_semaphore, #tpu.memory_space<semaphore_mem>>) src(%dma_wait3A_444 : memref<1600x16xf32, #tpu.memory_space<hbm>>) dst(%dma_wait3A_438 : memref<128x16xf32, #tpu.memory_space<vmem>>)
      %dma_wait3A_447 = arith.constant 384 : i32
      %dma_wait3A_448 = arith.constant 0 : i32
      %dma_wait3A_449 = tpu.memref_slice %arg12[%rem3A_326, %dma_wait3A_447, %dma_wait3A_448] : memref<2x400x64xf32, #tpu.memory_space<vmem>> -> memref<1x16x64xf32, #tpu.memory_space<vmem>>
      %dma_wait3A_450 = tpu.memref_squeeze %dma_wait3A_449 : memref<1x16x64xf32, #tpu.memory_space<vmem>> -> memref<16x64xf32, #tpu.memory_space<vmem>>
      %dma_wait3A_451 = arith.constant 384 : i32
      %dma_wait3A_452 = tpu.memref_slice %arg9[%rem3A_326, %dma_wait3A_451] : memref<2x400xi32, #tpu.memory_space<vmem>> -> memref<1x16xi32, #tpu.memory_space<vmem>>
      %dma_wait3A_453 = tpu.memref_squeeze %dma_wait3A_452 : memref<1x16xi32, #tpu.memory_space<vmem>> -> memref<16xi32, #tpu.memory_space<vmem>>
      %dma_wait3A_454 = arith.constant 0 : i32
      %dma_wait3A_455 = arith.constant 0 : i32
      %dma_wait3A_456 = tpu.memref_slice %arg5[%dma_wait3A_454, %dma_wait3A_455] : memref<1000000x64xf32, #tpu.memory_space<hbm>> -> memref<1000000x64xf32, #tpu.memory_space<hbm>>
      %dma_wait3A_457 = tpu.memref_slice %arg15[%rem3A_326] : memref<2x!tpu.dma_semaphore, #tpu.memory_space<semaphore_mem>> -> memref<1x!tpu.dma_semaphore, #tpu.memory_space<semaphore_mem>>
      %dma_wait3A_458 = tpu.memref_squeeze %dma_wait3A_457 : memref<1x!tpu.dma_semaphore, #tpu.memory_space<semaphore_mem>> -> memref<!tpu.dma_semaphore, #tpu.memory_space<semaphore_mem>>
      tpu.wait_indirect_dma semaphore(%dma_wait3A_458 : memref<!tpu.dma_semaphore, #tpu.memory_space<semaphore_mem>>) src(%dma_wait3A_456 : memref<1000000x64xf32, #tpu.memory_space<hbm>>) dst(%dma_wait3A_450 : memref<16x64xf32, #tpu.memory_space<vmem>>)
      %dma_wait3A_459 = arith.constant 384 : i32
      %dma_wait3A_460 = arith.constant 0 : i32
      %dma_wait3A_461 = tpu.memref_slice %arg13[%rem3A_326, %dma_wait3A_459, %dma_wait3A_460] : memref<2x400x16xf32, #tpu.memory_space<vmem>> -> memref<1x16x16xf32, #tpu.memory_space<vmem>>
      %dma_wait3A_462 = tpu.memref_squeeze %dma_wait3A_461 : memref<1x16x16xf32, #tpu.memory_space<vmem>> -> memref<16x16xf32, #tpu.memory_space<vmem>>
      %dma_wait3A_463 = arith.constant 384 : i32
      %dma_wait3A_464 = tpu.memref_slice %arg10[%rem3A_326, %dma_wait3A_463] : memref<2x400xi32, #tpu.memory_space<vmem>> -> memref<1x16xi32, #tpu.memory_space<vmem>>
      %dma_wait3A_465 = tpu.memref_squeeze %dma_wait3A_464 : memref<1x16xi32, #tpu.memory_space<vmem>> -> memref<16xi32, #tpu.memory_space<vmem>>
      %dma_wait3A_466 = arith.constant 0 : i32
      %dma_wait3A_467 = arith.constant 0 : i32
      %dma_wait3A_468 = tpu.memref_slice %arg6[%dma_wait3A_466, %dma_wait3A_467] : memref<1600x16xf32, #tpu.memory_space<hbm>> -> memref<1600x16xf32, #tpu.memory_space<hbm>>
      %dma_wait3A_469 = tpu.memref_slice %arg15[%rem3A_326] : memref<2x!tpu.dma_semaphore, #tpu.memory_space<semaphore_mem>> -> memref<1x!tpu.dma_semaphore, #tpu.memory_space<semaphore_mem>>
      %dma_wait3A_470 = tpu.memref_squeeze %dma_wait3A_469 : memref<1x!tpu.dma_semaphore, #tpu.memory_space<semaphore_mem>> -> memref<!tpu.dma_semaphore, #tpu.memory_space<semaphore_mem>>
      tpu.wait_indirect_dma semaphore(%dma_wait3A_470 : memref<!tpu.dma_semaphore, #tpu.memory_space<semaphore_mem>>) src(%dma_wait3A_468 : memref<1600x16xf32, #tpu.memory_space<hbm>>) dst(%dma_wait3A_462 : memref<16x16xf32, #tpu.memory_space<vmem>>)
      %dma_wait3A_471 = arith.constant 384 : i32
      %dma_wait3A_472 = arith.constant 0 : i32
      %dma_wait3A_473 = tpu.memref_slice %arg14[%rem3A_326, %dma_wait3A_471, %dma_wait3A_472] : memref<2x400x16xf32, #tpu.memory_space<vmem>> -> memref<1x16x16xf32, #tpu.memory_space<vmem>>
      %dma_wait3A_474 = tpu.memref_squeeze %dma_wait3A_473 : memref<1x16x16xf32, #tpu.memory_space<vmem>> -> memref<16x16xf32, #tpu.memory_space<vmem>>
      %dma_wait3A_475 = arith.constant 384 : i32
      %dma_wait3A_476 = tpu.memref_slice %arg11[%rem3A_326, %dma_wait3A_475] : memref<2x400xi32, #tpu.memory_space<vmem>> -> memref<1x16xi32, #tpu.memory_space<vmem>>
      %dma_wait3A_477 = tpu.memref_squeeze %dma_wait3A_476 : memref<1x16xi32, #tpu.memory_space<vmem>> -> memref<16xi32, #tpu.memory_space<vmem>>
      %dma_wait3A_478 = arith.constant 0 : i32
      %dma_wait3A_479 = arith.constant 0 : i32
      %dma_wait3A_480 = tpu.memref_slice %arg7[%dma_wait3A_478, %dma_wait3A_479] : memref<1600x16xf32, #tpu.memory_space<hbm>> -> memref<1600x16xf32, #tpu.memory_space<hbm>>
      %dma_wait3A_481 = tpu.memref_slice %arg15[%rem3A_326] : memref<2x!tpu.dma_semaphore, #tpu.memory_space<semaphore_mem>> -> memref<1x!tpu.dma_semaphore, #tpu.memory_space<semaphore_mem>>
      %dma_wait3A_482 = tpu.memref_squeeze %dma_wait3A_481 : memref<1x!tpu.dma_semaphore, #tpu.memory_space<semaphore_mem>> -> memref<!tpu.dma_semaphore, #tpu.memory_space<semaphore_mem>>
      tpu.wait_indirect_dma semaphore(%dma_wait3A_482 : memref<!tpu.dma_semaphore, #tpu.memory_space<semaphore_mem>>) src(%dma_wait3A_480 : memref<1600x16xf32, #tpu.memory_space<hbm>>) dst(%dma_wait3A_474 : memref<16x16xf32, #tpu.memory_space<vmem>>)
      %mul3A_483 = arith.constant 2 : i32
      %mul3A_484 = arith.muli %add3A_325, %mul3A_483 : i32
      %add3A_485 = arith.addi %mul3A_6, %mul3A_484 : i32
      %add3A_486 = arith.constant 0 : i32
      %add3A_487 = arith.addi %add3A_485, %add3A_486 : i32
      %dma_start3A_488 = arith.constant 0 : i32
      %dma_start3A_489 = arith.constant 0 : i32
      %dma_start3A_490 = tpu.memref_slice %arg12[%rem3A_326, %dma_start3A_488, %dma_start3A_489] : memref<2x400x64xf32, #tpu.memory_space<vmem>> -> memref<1x200x64xf32, #tpu.memory_space<vmem>>
      %dma_start3A_491 = tpu.memref_squeeze %dma_start3A_490 : memref<1x200x64xf32, #tpu.memory_space<vmem>> -> memref<200x64xf32, #tpu.memory_space<vmem>>
      %dma_start3A_492 = arith.constant 0 : i32
      %dma_start3A_493 = arith.constant 0 : i32
      %dma_start3A_494 = tpu.memref_slice %arg8[%add3A_487, %dma_start3A_492, %dma_start3A_493] : memref<1024x200x128xf32, #tpu.memory_space<hbm>> -> memref<1x200x64xf32, #tpu.memory_space<hbm>>
      %dma_start3A_495 = tpu.memref_squeeze %dma_start3A_494 : memref<1x200x64xf32, #tpu.memory_space<hbm>> -> memref<200x64xf32, #tpu.memory_space<hbm>>
      %dma_start3A_496 = tpu.memref_slice %arg16[%rem3A_326] : memref<2x!tpu.dma_semaphore, #tpu.memory_space<semaphore_mem>> -> memref<1x!tpu.dma_semaphore, #tpu.memory_space<semaphore_mem>>
      %dma_start3A_497 = tpu.memref_squeeze %dma_start3A_496 : memref<1x!tpu.dma_semaphore, #tpu.memory_space<semaphore_mem>> -> memref<!tpu.dma_semaphore, #tpu.memory_space<semaphore_mem>>
      %dma_start3A_498 = arith.constant 0 : i32
      %dma_start3A_499 = arith.constant 0 : i32
      %dma_start3A_500 = tpu.memref_slice %arg8[%add3A_487, %dma_start3A_498, %dma_start3A_499] : memref<1024x200x128xf32, #tpu.memory_space<hbm>> -> memref<1x200x64xf32, #tpu.memory_space<hbm>>
      %dma_start3A_501 = tpu.memref_squeeze %dma_start3A_500 : memref<1x200x64xf32, #tpu.memory_space<hbm>> -> memref<200x64xf32, #tpu.memory_space<hbm>>
      %dma_start3A_502 = arith.constant 0 : i32
      %dma_start3A_503 = arith.constant 0 : i32
      %dma_start3A_504 = tpu.memref_slice %arg12[%rem3A_326, %dma_start3A_502, %dma_start3A_503] : memref<2x400x64xf32, #tpu.memory_space<vmem>> -> memref<1x200x64xf32, #tpu.memory_space<vmem>>
      %dma_start3A_505 = tpu.memref_squeeze %dma_start3A_504 : memref<1x200x64xf32, #tpu.memory_space<vmem>> -> memref<200x64xf32, #tpu.memory_space<vmem>>
      tpu.enqueue_dma source(%dma_start3A_505 : memref<200x64xf32, #tpu.memory_space<vmem>>) target(%dma_start3A_501 : memref<200x64xf32, #tpu.memory_space<hbm>>) target_semaphore(%dma_start3A_497 : memref<!tpu.dma_semaphore, #tpu.memory_space<semaphore_mem>>)
      %dma_start3A_506 = arith.constant 0 : i32
      %dma_start3A_507 = arith.constant 0 : i32
      %dma_start3A_508 = tpu.memref_slice %arg13[%rem3A_326, %dma_start3A_506, %dma_start3A_507] : memref<2x400x16xf32, #tpu.memory_space<vmem>> -> memref<1x200x16xf32, #tpu.memory_space<vmem>>
      %dma_start3A_509 = tpu.memref_squeeze %dma_start3A_508 : memref<1x200x16xf32, #tpu.memory_space<vmem>> -> memref<200x16xf32, #tpu.memory_space<vmem>>
      %dma_start3A_510 = arith.constant 0 : i32
      %dma_start3A_511 = arith.constant 64 : i32
      %dma_start3A_512 = tpu.memref_slice %arg8[%add3A_487, %dma_start3A_510, %dma_start3A_511] : memref<1024x200x128xf32, #tpu.memory_space<hbm>> -> memref<1x200x16xf32, #tpu.memory_space<hbm>>
      %dma_start3A_513 = tpu.memref_squeeze %dma_start3A_512 : memref<1x200x16xf32, #tpu.memory_space<hbm>> -> memref<200x16xf32, #tpu.memory_space<hbm>>
      %dma_start3A_514 = tpu.memref_slice %arg16[%rem3A_326] : memref<2x!tpu.dma_semaphore, #tpu.memory_space<semaphore_mem>> -> memref<1x!tpu.dma_semaphore, #tpu.memory_space<semaphore_mem>>
      %dma_start3A_515 = tpu.memref_squeeze %dma_start3A_514 : memref<1x!tpu.dma_semaphore, #tpu.memory_space<semaphore_mem>> -> memref<!tpu.dma_semaphore, #tpu.memory_space<semaphore_mem>>
      %dma_start3A_516 = arith.constant 0 : i32
      %dma_start3A_517 = arith.constant 64 : i32
      %dma_start3A_518 = tpu.memref_slice %arg8[%add3A_487, %dma_start3A_516, %dma_start3A_517] : memref<1024x200x128xf32, #tpu.memory_space<hbm>> -> memref<1x200x16xf32, #tpu.memory_space<hbm>>
      %dma_start3A_519 = tpu.memref_squeeze %dma_start3A_518 : memref<1x200x16xf32, #tpu.memory_space<hbm>> -> memref<200x16xf32, #tpu.memory_space<hbm>>
      %dma_start3A_520 = arith.constant 0 : i32
      %dma_start3A_521 = arith.constant 0 : i32
      %dma_start3A_522 = tpu.memref_slice %arg13[%rem3A_326, %dma_start3A_520, %dma_start3A_521] : memref<2x400x16xf32, #tpu.memory_space<vmem>> -> memref<1x200x16xf32, #tpu.memory_space<vmem>>
      %dma_start3A_523 = tpu.memref_squeeze %dma_start3A_522 : memref<1x200x16xf32, #tpu.memory_space<vmem>> -> memref<200x16xf32, #tpu.memory_space<vmem>>
      tpu.enqueue_dma source(%dma_start3A_523 : memref<200x16xf32, #tpu.memory_space<vmem>>) target(%dma_start3A_519 : memref<200x16xf32, #tpu.memory_space<hbm>>) target_semaphore(%dma_start3A_515 : memref<!tpu.dma_semaphore, #tpu.memory_space<semaphore_mem>>)
      %dma_start3A_524 = arith.constant 0 : i32
      %dma_start3A_525 = arith.constant 0 : i32
      %dma_start3A_526 = tpu.memref_slice %arg14[%rem3A_326, %dma_start3A_524, %dma_start3A_525] : memref<2x400x16xf32, #tpu.memory_space<vmem>> -> memref<1x200x16xf32, #tpu.memory_space<vmem>>
      %dma_start3A_527 = tpu.memref_squeeze %dma_start3A_526 : memref<1x200x16xf32, #tpu.memory_space<vmem>> -> memref<200x16xf32, #tpu.memory_space<vmem>>
      %dma_start3A_528 = arith.constant 0 : i32
      %dma_start3A_529 = arith.constant 80 : i32
      %dma_start3A_530 = tpu.memref_slice %arg8[%add3A_487, %dma_start3A_528, %dma_start3A_529] : memref<1024x200x128xf32, #tpu.memory_space<hbm>> -> memref<1x200x16xf32, #tpu.memory_space<hbm>>
      %dma_start3A_531 = tpu.memref_squeeze %dma_start3A_530 : memref<1x200x16xf32, #tpu.memory_space<hbm>> -> memref<200x16xf32, #tpu.memory_space<hbm>>
      %dma_start3A_532 = tpu.memref_slice %arg16[%rem3A_326] : memref<2x!tpu.dma_semaphore, #tpu.memory_space<semaphore_mem>> -> memref<1x!tpu.dma_semaphore, #tpu.memory_space<semaphore_mem>>
      %dma_start3A_533 = tpu.memref_squeeze %dma_start3A_532 : memref<1x!tpu.dma_semaphore, #tpu.memory_space<semaphore_mem>> -> memref<!tpu.dma_semaphore, #tpu.memory_space<semaphore_mem>>
      %dma_start3A_534 = arith.constant 0 : i32
      %dma_start3A_535 = arith.constant 80 : i32
      %dma_start3A_536 = tpu.memref_slice %arg8[%add3A_487, %dma_start3A_534, %dma_start3A_535] : memref<1024x200x128xf32, #tpu.memory_space<hbm>> -> memref<1x200x16xf32, #tpu.memory_space<hbm>>
      %dma_start3A_537 = tpu.memref_squeeze %dma_start3A_536 : memref<1x200x16xf32, #tpu.memory_space<hbm>> -> memref<200x16xf32, #tpu.memory_space<hbm>>
      %dma_start3A_538 = arith.constant 0 : i32
      %dma_start3A_539 = arith.constant 0 : i32
      %dma_start3A_540 = tpu.memref_slice %arg14[%rem3A_326, %dma_start3A_538, %dma_start3A_539] : memref<2x400x16xf32, #tpu.memory_space<vmem>> -> memref<1x200x16xf32, #tpu.memory_space<vmem>>
      %dma_start3A_541 = tpu.memref_squeeze %dma_start3A_540 : memref<1x200x16xf32, #tpu.memory_space<vmem>> -> memref<200x16xf32, #tpu.memory_space<vmem>>
      tpu.enqueue_dma source(%dma_start3A_541 : memref<200x16xf32, #tpu.memory_space<vmem>>) target(%dma_start3A_537 : memref<200x16xf32, #tpu.memory_space<hbm>>) target_semaphore(%dma_start3A_533 : memref<!tpu.dma_semaphore, #tpu.memory_space<semaphore_mem>>)
      %mul3A_542 = arith.constant 2 : i32
      %mul3A_543 = arith.muli %add3A_325, %mul3A_542 : i32
      %add3A_544 = arith.addi %mul3A_6, %mul3A_543 : i32
      %add3A_545 = arith.constant 1 : i32
      %add3A_546 = arith.addi %add3A_544, %add3A_545 : i32
      %dma_start3A_547 = arith.constant 200 : i32
      %dma_start3A_548 = arith.constant 0 : i32
      %dma_start3A_549 = tpu.memref_slice %arg12[%rem3A_326, %dma_start3A_547, %dma_start3A_548] : memref<2x400x64xf32, #tpu.memory_space<vmem>> -> memref<1x200x64xf32, #tpu.memory_space<vmem>>
      %dma_start3A_550 = tpu.memref_squeeze %dma_start3A_549 : memref<1x200x64xf32, #tpu.memory_space<vmem>> -> memref<200x64xf32, #tpu.memory_space<vmem>>
      %dma_start3A_551 = arith.constant 0 : i32
      %dma_start3A_552 = arith.constant 0 : i32
      %dma_start3A_553 = tpu.memref_slice %arg8[%add3A_546, %dma_start3A_551, %dma_start3A_552] : memref<1024x200x128xf32, #tpu.memory_space<hbm>> -> memref<1x200x64xf32, #tpu.memory_space<hbm>>
      %dma_start3A_554 = tpu.memref_squeeze %dma_start3A_553 : memref<1x200x64xf32, #tpu.memory_space<hbm>> -> memref<200x64xf32, #tpu.memory_space<hbm>>
      %dma_start3A_555 = tpu.memref_slice %arg16[%rem3A_326] : memref<2x!tpu.dma_semaphore, #tpu.memory_space<semaphore_mem>> -> memref<1x!tpu.dma_semaphore, #tpu.memory_space<semaphore_mem>>
      %dma_start3A_556 = tpu.memref_squeeze %dma_start3A_555 : memref<1x!tpu.dma_semaphore, #tpu.memory_space<semaphore_mem>> -> memref<!tpu.dma_semaphore, #tpu.memory_space<semaphore_mem>>
      %dma_start3A_557 = arith.constant 0 : i32
      %dma_start3A_558 = arith.constant 0 : i32
      %dma_start3A_559 = tpu.memref_slice %arg8[%add3A_546, %dma_start3A_557, %dma_start3A_558] : memref<1024x200x128xf32, #tpu.memory_space<hbm>> -> memref<1x200x64xf32, #tpu.memory_space<hbm>>
      %dma_start3A_560 = tpu.memref_squeeze %dma_start3A_559 : memref<1x200x64xf32, #tpu.memory_space<hbm>> -> memref<200x64xf32, #tpu.memory_space<hbm>>
      %dma_start3A_561 = arith.constant 200 : i32
      %dma_start3A_562 = arith.constant 0 : i32
      %dma_start3A_563 = tpu.memref_slice %arg12[%rem3A_326, %dma_start3A_561, %dma_start3A_562] : memref<2x400x64xf32, #tpu.memory_space<vmem>> -> memref<1x200x64xf32, #tpu.memory_space<vmem>>
      %dma_start3A_564 = tpu.memref_squeeze %dma_start3A_563 : memref<1x200x64xf32, #tpu.memory_space<vmem>> -> memref<200x64xf32, #tpu.memory_space<vmem>>
      tpu.enqueue_dma source(%dma_start3A_564 : memref<200x64xf32, #tpu.memory_space<vmem>>) target(%dma_start3A_560 : memref<200x64xf32, #tpu.memory_space<hbm>>) target_semaphore(%dma_start3A_556 : memref<!tpu.dma_semaphore, #tpu.memory_space<semaphore_mem>>)
      %dma_start3A_565 = arith.constant 200 : i32
      %dma_start3A_566 = arith.constant 0 : i32
      %dma_start3A_567 = tpu.memref_slice %arg13[%rem3A_326, %dma_start3A_565, %dma_start3A_566] : memref<2x400x16xf32, #tpu.memory_space<vmem>> -> memref<1x200x16xf32, #tpu.memory_space<vmem>>
      %dma_start3A_568 = tpu.memref_squeeze %dma_start3A_567 : memref<1x200x16xf32, #tpu.memory_space<vmem>> -> memref<200x16xf32, #tpu.memory_space<vmem>>
      %dma_start3A_569 = arith.constant 0 : i32
      %dma_start3A_570 = arith.constant 64 : i32
      %dma_start3A_571 = tpu.memref_slice %arg8[%add3A_546, %dma_start3A_569, %dma_start3A_570] : memref<1024x200x128xf32, #tpu.memory_space<hbm>> -> memref<1x200x16xf32, #tpu.memory_space<hbm>>
      %dma_start3A_572 = tpu.memref_squeeze %dma_start3A_571 : memref<1x200x16xf32, #tpu.memory_space<hbm>> -> memref<200x16xf32, #tpu.memory_space<hbm>>
      %dma_start3A_573 = tpu.memref_slice %arg16[%rem3A_326] : memref<2x!tpu.dma_semaphore, #tpu.memory_space<semaphore_mem>> -> memref<1x!tpu.dma_semaphore, #tpu.memory_space<semaphore_mem>>
      %dma_start3A_574 = tpu.memref_squeeze %dma_start3A_573 : memref<1x!tpu.dma_semaphore, #tpu.memory_space<semaphore_mem>> -> memref<!tpu.dma_semaphore, #tpu.memory_space<semaphore_mem>>
      %dma_start3A_575 = arith.constant 0 : i32
      %dma_start3A_576 = arith.constant 64 : i32
      %dma_start3A_577 = tpu.memref_slice %arg8[%add3A_546, %dma_start3A_575, %dma_start3A_576] : memref<1024x200x128xf32, #tpu.memory_space<hbm>> -> memref<1x200x16xf32, #tpu.memory_space<hbm>>
      %dma_start3A_578 = tpu.memref_squeeze %dma_start3A_577 : memref<1x200x16xf32, #tpu.memory_space<hbm>> -> memref<200x16xf32, #tpu.memory_space<hbm>>
      %dma_start3A_579 = arith.constant 200 : i32
      %dma_start3A_580 = arith.constant 0 : i32
      %dma_start3A_581 = tpu.memref_slice %arg13[%rem3A_326, %dma_start3A_579, %dma_start3A_580] : memref<2x400x16xf32, #tpu.memory_space<vmem>> -> memref<1x200x16xf32, #tpu.memory_space<vmem>>
      %dma_start3A_582 = tpu.memref_squeeze %dma_start3A_581 : memref<1x200x16xf32, #tpu.memory_space<vmem>> -> memref<200x16xf32, #tpu.memory_space<vmem>>
      tpu.enqueue_dma source(%dma_start3A_582 : memref<200x16xf32, #tpu.memory_space<vmem>>) target(%dma_start3A_578 : memref<200x16xf32, #tpu.memory_space<hbm>>) target_semaphore(%dma_start3A_574 : memref<!tpu.dma_semaphore, #tpu.memory_space<semaphore_mem>>)
      %dma_start3A_583 = arith.constant 200 : i32
      %dma_start3A_584 = arith.constant 0 : i32
      %dma_start3A_585 = tpu.memref_slice %arg14[%rem3A_326, %dma_start3A_583, %dma_start3A_584] : memref<2x400x16xf32, #tpu.memory_space<vmem>> -> memref<1x200x16xf32, #tpu.memory_space<vmem>>
      %dma_start3A_586 = tpu.memref_squeeze %dma_start3A_585 : memref<1x200x16xf32, #tpu.memory_space<vmem>> -> memref<200x16xf32, #tpu.memory_space<vmem>>
      %dma_start3A_587 = arith.constant 0 : i32
      %dma_start3A_588 = arith.constant 80 : i32
      %dma_start3A_589 = tpu.memref_slice %arg8[%add3A_546, %dma_start3A_587, %dma_start3A_588] : memref<1024x200x128xf32, #tpu.memory_space<hbm>> -> memref<1x200x16xf32, #tpu.memory_space<hbm>>
      %dma_start3A_590 = tpu.memref_squeeze %dma_start3A_589 : memref<1x200x16xf32, #tpu.memory_space<hbm>> -> memref<200x16xf32, #tpu.memory_space<hbm>>
      %dma_start3A_591 = tpu.memref_slice %arg16[%rem3A_326] : memref<2x!tpu.dma_semaphore, #tpu.memory_space<semaphore_mem>> -> memref<1x!tpu.dma_semaphore, #tpu.memory_space<semaphore_mem>>
      %dma_start3A_592 = tpu.memref_squeeze %dma_start3A_591 : memref<1x!tpu.dma_semaphore, #tpu.memory_space<semaphore_mem>> -> memref<!tpu.dma_semaphore, #tpu.memory_space<semaphore_mem>>
      %dma_start3A_593 = arith.constant 0 : i32
      %dma_start3A_594 = arith.constant 80 : i32
      %dma_start3A_595 = tpu.memref_slice %arg8[%add3A_546, %dma_start3A_593, %dma_start3A_594] : memref<1024x200x128xf32, #tpu.memory_space<hbm>> -> memref<1x200x16xf32, #tpu.memory_space<hbm>>
      %dma_start3A_596 = tpu.memref_squeeze %dma_start3A_595 : memref<1x200x16xf32, #tpu.memory_space<hbm>> -> memref<200x16xf32, #tpu.memory_space<hbm>>
      %dma_start3A_597 = arith.constant 200 : i32
      %dma_start3A_598 = arith.constant 0 : i32
      %dma_start3A_599 = tpu.memref_slice %arg14[%rem3A_326, %dma_start3A_597, %dma_start3A_598] : memref<2x400x16xf32, #tpu.memory_space<vmem>> -> memref<1x200x16xf32, #tpu.memory_space<vmem>>
      %dma_start3A_600 = tpu.memref_squeeze %dma_start3A_599 : memref<1x200x16xf32, #tpu.memory_space<vmem>> -> memref<200x16xf32, #tpu.memory_space<vmem>>
      tpu.enqueue_dma source(%dma_start3A_600 : memref<200x16xf32, #tpu.memory_space<vmem>>) target(%dma_start3A_596 : memref<200x16xf32, #tpu.memory_space<hbm>>) target_semaphore(%dma_start3A_592 : memref<!tpu.dma_semaphore, #tpu.memory_space<semaphore_mem>>)
    }
    %scan3A_193 = arith.constant 16 : i32
    %add3A_194 = arith.constant 30 : i32
    %add3A_195 = arith.addi %mul3A_6, %add3A_194 : i32
    %add3A_196 = arith.constant 0 : i32
    %add3A_197 = arith.addi %add3A_195, %add3A_196 : i32
    %dma_wait3A = arith.constant 1 : i32
    %dma_wait3A_198 = arith.constant 1 : i32
    %dma_wait3A_199 = arith.constant 0 : i32
    %dma_wait3A_200 = arith.constant 0 : i32
    %dma_wait3A_201 = tpu.memref_slice %arg12[%dma_wait3A, %dma_wait3A_199, %dma_wait3A_200] : memref<2x400x64xf32, #tpu.memory_space<vmem>> -> memref<1x200x64xf32, #tpu.memory_space<vmem>>
    %dma_wait3A_202 = tpu.memref_squeeze %dma_wait3A_201 : memref<1x200x64xf32, #tpu.memory_space<vmem>> -> memref<200x64xf32, #tpu.memory_space<vmem>>
    %dma_wait3A_203 = arith.constant 0 : i32
    %dma_wait3A_204 = arith.constant 0 : i32
    %dma_wait3A_205 = tpu.memref_slice %arg8[%add3A_197, %dma_wait3A_203, %dma_wait3A_204] : memref<1024x200x128xf32, #tpu.memory_space<hbm>> -> memref<1x200x64xf32, #tpu.memory_space<hbm>>
    %dma_wait3A_206 = tpu.memref_squeeze %dma_wait3A_205 : memref<1x200x64xf32, #tpu.memory_space<hbm>> -> memref<200x64xf32, #tpu.memory_space<hbm>>
    %dma_wait3A_207 = tpu.memref_slice %arg16[%dma_wait3A_198] : memref<2x!tpu.dma_semaphore, #tpu.memory_space<semaphore_mem>> -> memref<1x!tpu.dma_semaphore, #tpu.memory_space<semaphore_mem>>
    %dma_wait3A_208 = tpu.memref_squeeze %dma_wait3A_207 : memref<1x!tpu.dma_semaphore, #tpu.memory_space<semaphore_mem>> -> memref<!tpu.dma_semaphore, #tpu.memory_space<semaphore_mem>>
    %dma_wait3A_209 = arith.constant 0 : i32
    %dma_wait3A_210 = arith.constant 0 : i32
    %dma_wait3A_211 = tpu.memref_slice %arg8[%add3A_197, %dma_wait3A_209, %dma_wait3A_210] : memref<1024x200x128xf32, #tpu.memory_space<hbm>> -> memref<1x200x64xf32, #tpu.memory_space<hbm>>
    %dma_wait3A_212 = tpu.memref_squeeze %dma_wait3A_211 : memref<1x200x64xf32, #tpu.memory_space<hbm>> -> memref<200x64xf32, #tpu.memory_space<hbm>>
    %dma_wait3A_213 = arith.constant 0 : i32
    %dma_wait3A_214 = arith.constant 0 : i32
    %dma_wait3A_215 = tpu.memref_slice %arg12[%dma_wait3A, %dma_wait3A_213, %dma_wait3A_214] : memref<2x400x64xf32, #tpu.memory_space<vmem>> -> memref<1x200x64xf32, #tpu.memory_space<vmem>>
    %dma_wait3A_216 = tpu.memref_squeeze %dma_wait3A_215 : memref<1x200x64xf32, #tpu.memory_space<vmem>> -> memref<200x64xf32, #tpu.memory_space<vmem>>
    tpu.wait_dma2 semaphore(%dma_wait3A_208 : memref<!tpu.dma_semaphore, #tpu.memory_space<semaphore_mem>>) src(%dma_wait3A_216 : memref<200x64xf32, #tpu.memory_space<vmem>>) dst(%dma_wait3A_212 : memref<200x64xf32, #tpu.memory_space<hbm>>)
    %dma_wait3A_217 = arith.constant 1 : i32
    %dma_wait3A_218 = arith.constant 1 : i32
    %dma_wait3A_219 = arith.constant 0 : i32
    %dma_wait3A_220 = arith.constant 0 : i32
    %dma_wait3A_221 = tpu.memref_slice %arg13[%dma_wait3A_217, %dma_wait3A_219, %dma_wait3A_220] : memref<2x400x16xf32, #tpu.memory_space<vmem>> -> memref<1x200x16xf32, #tpu.memory_space<vmem>>
    %dma_wait3A_222 = tpu.memref_squeeze %dma_wait3A_221 : memref<1x200x16xf32, #tpu.memory_space<vmem>> -> memref<200x16xf32, #tpu.memory_space<vmem>>
    %dma_wait3A_223 = arith.constant 0 : i32
    %dma_wait3A_224 = arith.constant 64 : i32
    %dma_wait3A_225 = tpu.memref_slice %arg8[%add3A_197, %dma_wait3A_223, %dma_wait3A_224] : memref<1024x200x128xf32, #tpu.memory_space<hbm>> -> memref<1x200x16xf32, #tpu.memory_space<hbm>>
    %dma_wait3A_226 = tpu.memref_squeeze %dma_wait3A_225 : memref<1x200x16xf32, #tpu.memory_space<hbm>> -> memref<200x16xf32, #tpu.memory_space<hbm>>
    %dma_wait3A_227 = tpu.memref_slice %arg16[%dma_wait3A_218] : memref<2x!tpu.dma_semaphore, #tpu.memory_space<semaphore_mem>> -> memref<1x!tpu.dma_semaphore, #tpu.memory_space<semaphore_mem>>
    %dma_wait3A_228 = tpu.memref_squeeze %dma_wait3A_227 : memref<1x!tpu.dma_semaphore, #tpu.memory_space<semaphore_mem>> -> memref<!tpu.dma_semaphore, #tpu.memory_space<semaphore_mem>>
    %dma_wait3A_229 = arith.constant 0 : i32
    %dma_wait3A_230 = arith.constant 64 : i32
    %dma_wait3A_231 = tpu.memref_slice %arg8[%add3A_197, %dma_wait3A_229, %dma_wait3A_230] : memref<1024x200x128xf32, #tpu.memory_space<hbm>> -> memref<1x200x16xf32, #tpu.memory_space<hbm>>
    %dma_wait3A_232 = tpu.memref_squeeze %dma_wait3A_231 : memref<1x200x16xf32, #tpu.memory_space<hbm>> -> memref<200x16xf32, #tpu.memory_space<hbm>>
    %dma_wait3A_233 = arith.constant 0 : i32
    %dma_wait3A_234 = arith.constant 0 : i32
    %dma_wait3A_235 = tpu.memref_slice %arg13[%dma_wait3A_217, %dma_wait3A_233, %dma_wait3A_234] : memref<2x400x16xf32, #tpu.memory_space<vmem>> -> memref<1x200x16xf32, #tpu.memory_space<vmem>>
    %dma_wait3A_236 = tpu.memref_squeeze %dma_wait3A_235 : memref<1x200x16xf32, #tpu.memory_space<vmem>> -> memref<200x16xf32, #tpu.memory_space<vmem>>
    tpu.wait_dma2 semaphore(%dma_wait3A_228 : memref<!tpu.dma_semaphore, #tpu.memory_space<semaphore_mem>>) src(%dma_wait3A_236 : memref<200x16xf32, #tpu.memory_space<vmem>>) dst(%dma_wait3A_232 : memref<200x16xf32, #tpu.memory_space<hbm>>)
    %dma_wait3A_237 = arith.constant 1 : i32
    %dma_wait3A_238 = arith.constant 1 : i32
    %dma_wait3A_239 = arith.constant 0 : i32
    %dma_wait3A_240 = arith.constant 0 : i32
    %dma_wait3A_241 = tpu.memref_slice %arg14[%dma_wait3A_237, %dma_wait3A_239, %dma_wait3A_240] : memref<2x400x16xf32, #tpu.memory_space<vmem>> -> memref<1x200x16xf32, #tpu.memory_space<vmem>>
    %dma_wait3A_242 = tpu.memref_squeeze %dma_wait3A_241 : memref<1x200x16xf32, #tpu.memory_space<vmem>> -> memref<200x16xf32, #tpu.memory_space<vmem>>
    %dma_wait3A_243 = arith.constant 0 : i32
    %dma_wait3A_244 = arith.constant 80 : i32
    %dma_wait3A_245 = tpu.memref_slice %arg8[%add3A_197, %dma_wait3A_243, %dma_wait3A_244] : memref<1024x200x128xf32, #tpu.memory_space<hbm>> -> memref<1x200x16xf32, #tpu.memory_space<hbm>>
    %dma_wait3A_246 = tpu.memref_squeeze %dma_wait3A_245 : memref<1x200x16xf32, #tpu.memory_space<hbm>> -> memref<200x16xf32, #tpu.memory_space<hbm>>
    %dma_wait3A_247 = tpu.memref_slice %arg16[%dma_wait3A_238] : memref<2x!tpu.dma_semaphore, #tpu.memory_space<semaphore_mem>> -> memref<1x!tpu.dma_semaphore, #tpu.memory_space<semaphore_mem>>
    %dma_wait3A_248 = tpu.memref_squeeze %dma_wait3A_247 : memref<1x!tpu.dma_semaphore, #tpu.memory_space<semaphore_mem>> -> memref<!tpu.dma_semaphore, #tpu.memory_space<semaphore_mem>>
    %dma_wait3A_249 = arith.constant 0 : i32
    %dma_wait3A_250 = arith.constant 80 : i32
    %dma_wait3A_251 = tpu.memref_slice %arg8[%add3A_197, %dma_wait3A_249, %dma_wait3A_250] : memref<1024x200x128xf32, #tpu.memory_space<hbm>> -> memref<1x200x16xf32, #tpu.memory_space<hbm>>
    %dma_wait3A_252 = tpu.memref_squeeze %dma_wait3A_251 : memref<1x200x16xf32, #tpu.memory_space<hbm>> -> memref<200x16xf32, #tpu.memory_space<hbm>>
    %dma_wait3A_253 = arith.constant 0 : i32
    %dma_wait3A_254 = arith.constant 0 : i32
    %dma_wait3A_255 = tpu.memref_slice %arg14[%dma_wait3A_237, %dma_wait3A_253, %dma_wait3A_254] : memref<2x400x16xf32, #tpu.memory_space<vmem>> -> memref<1x200x16xf32, #tpu.memory_space<vmem>>
    %dma_wait3A_256 = tpu.memref_squeeze %dma_wait3A_255 : memref<1x200x16xf32, #tpu.memory_space<vmem>> -> memref<200x16xf32, #tpu.memory_space<vmem>>
    tpu.wait_dma2 semaphore(%dma_wait3A_248 : memref<!tpu.dma_semaphore, #tpu.memory_space<semaphore_mem>>) src(%dma_wait3A_256 : memref<200x16xf32, #tpu.memory_space<vmem>>) dst(%dma_wait3A_252 : memref<200x16xf32, #tpu.memory_space<hbm>>)
    %add3A_257 = arith.constant 30 : i32
    %add3A_258 = arith.addi %mul3A_6, %add3A_257 : i32
    %add3A_259 = arith.constant 1 : i32
    %add3A_260 = arith.addi %add3A_258, %add3A_259 : i32
    %dma_wait3A_261 = arith.constant 1 : i32
    %dma_wait3A_262 = arith.constant 1 : i32
    %dma_wait3A_263 = arith.constant 200 : i32
    %dma_wait3A_264 = arith.constant 0 : i32
    %dma_wait3A_265 = tpu.memref_slice %arg12[%dma_wait3A_261, %dma_wait3A_263, %dma_wait3A_264] : memref<2x400x64xf32, #tpu.memory_space<vmem>> -> memref<1x200x64xf32, #tpu.memory_space<vmem>>
    %dma_wait3A_266 = tpu.memref_squeeze %dma_wait3A_265 : memref<1x200x64xf32, #tpu.memory_space<vmem>> -> memref<200x64xf32, #tpu.memory_space<vmem>>
    %dma_wait3A_267 = arith.constant 0 : i32
    %dma_wait3A_268 = arith.constant 0 : i32
    %dma_wait3A_269 = tpu.memref_slice %arg8[%add3A_260, %dma_wait3A_267, %dma_wait3A_268] : memref<1024x200x128xf32, #tpu.memory_space<hbm>> -> memref<1x200x64xf32, #tpu.memory_space<hbm>>
    %dma_wait3A_270 = tpu.memref_squeeze %dma_wait3A_269 : memref<1x200x64xf32, #tpu.memory_space<hbm>> -> memref<200x64xf32, #tpu.memory_space<hbm>>
    %dma_wait3A_271 = tpu.memref_slice %arg16[%dma_wait3A_262] : memref<2x!tpu.dma_semaphore, #tpu.memory_space<semaphore_mem>> -> memref<1x!tpu.dma_semaphore, #tpu.memory_space<semaphore_mem>>
    %dma_wait3A_272 = tpu.memref_squeeze %dma_wait3A_271 : memref<1x!tpu.dma_semaphore, #tpu.memory_space<semaphore_mem>> -> memref<!tpu.dma_semaphore, #tpu.memory_space<semaphore_mem>>
    %dma_wait3A_273 = arith.constant 0 : i32
    %dma_wait3A_274 = arith.constant 0 : i32
    %dma_wait3A_275 = tpu.memref_slice %arg8[%add3A_260, %dma_wait3A_273, %dma_wait3A_274] : memref<1024x200x128xf32, #tpu.memory_space<hbm>> -> memref<1x200x64xf32, #tpu.memory_space<hbm>>
    %dma_wait3A_276 = tpu.memref_squeeze %dma_wait3A_275 : memref<1x200x64xf32, #tpu.memory_space<hbm>> -> memref<200x64xf32, #tpu.memory_space<hbm>>
    %dma_wait3A_277 = arith.constant 200 : i32
    %dma_wait3A_278 = arith.constant 0 : i32
    %dma_wait3A_279 = tpu.memref_slice %arg12[%dma_wait3A_261, %dma_wait3A_277, %dma_wait3A_278] : memref<2x400x64xf32, #tpu.memory_space<vmem>> -> memref<1x200x64xf32, #tpu.memory_space<vmem>>
    %dma_wait3A_280 = tpu.memref_squeeze %dma_wait3A_279 : memref<1x200x64xf32, #tpu.memory_space<vmem>> -> memref<200x64xf32, #tpu.memory_space<vmem>>
    tpu.wait_dma2 semaphore(%dma_wait3A_272 : memref<!tpu.dma_semaphore, #tpu.memory_space<semaphore_mem>>) src(%dma_wait3A_280 : memref<200x64xf32, #tpu.memory_space<vmem>>) dst(%dma_wait3A_276 : memref<200x64xf32, #tpu.memory_space<hbm>>)
    %dma_wait3A_281 = arith.constant 1 : i32
    %dma_wait3A_282 = arith.constant 1 : i32
    %dma_wait3A_283 = arith.constant 200 : i32
    %dma_wait3A_284 = arith.constant 0 : i32
    %dma_wait3A_285 = tpu.memref_slice %arg13[%dma_wait3A_281, %dma_wait3A_283, %dma_wait3A_284] : memref<2x400x16xf32, #tpu.memory_space<vmem>> -> memref<1x200x16xf32, #tpu.memory_space<vmem>>
    %dma_wait3A_286 = tpu.memref_squeeze %dma_wait3A_285 : memref<1x200x16xf32, #tpu.memory_space<vmem>> -> memref<200x16xf32, #tpu.memory_space<vmem>>
    %dma_wait3A_287 = arith.constant 0 : i32
    %dma_wait3A_288 = arith.constant 64 : i32
    %dma_wait3A_289 = tpu.memref_slice %arg8[%add3A_260, %dma_wait3A_287, %dma_wait3A_288] : memref<1024x200x128xf32, #tpu.memory_space<hbm>> -> memref<1x200x16xf32, #tpu.memory_space<hbm>>
    %dma_wait3A_290 = tpu.memref_squeeze %dma_wait3A_289 : memref<1x200x16xf32, #tpu.memory_space<hbm>> -> memref<200x16xf32, #tpu.memory_space<hbm>>
    %dma_wait3A_291 = tpu.memref_slice %arg16[%dma_wait3A_282] : memref<2x!tpu.dma_semaphore, #tpu.memory_space<semaphore_mem>> -> memref<1x!tpu.dma_semaphore, #tpu.memory_space<semaphore_mem>>
    %dma_wait3A_292 = tpu.memref_squeeze %dma_wait3A_291 : memref<1x!tpu.dma_semaphore, #tpu.memory_space<semaphore_mem>> -> memref<!tpu.dma_semaphore, #tpu.memory_space<semaphore_mem>>
    %dma_wait3A_293 = arith.constant 0 : i32
    %dma_wait3A_294 = arith.constant 64 : i32
    %dma_wait3A_295 = tpu.memref_slice %arg8[%add3A_260, %dma_wait3A_293, %dma_wait3A_294] : memref<1024x200x128xf32, #tpu.memory_space<hbm>> -> memref<1x200x16xf32, #tpu.memory_space<hbm>>
    %dma_wait3A_296 = tpu.memref_squeeze %dma_wait3A_295 : memref<1x200x16xf32, #tpu.memory_space<hbm>> -> memref<200x16xf32, #tpu.memory_space<hbm>>
    %dma_wait3A_297 = arith.constant 200 : i32
    %dma_wait3A_298 = arith.constant 0 : i32
    %dma_wait3A_299 = tpu.memref_slice %arg13[%dma_wait3A_281, %dma_wait3A_297, %dma_wait3A_298] : memref<2x400x16xf32, #tpu.memory_space<vmem>> -> memref<1x200x16xf32, #tpu.memory_space<vmem>>
    %dma_wait3A_300 = tpu.memref_squeeze %dma_wait3A_299 : memref<1x200x16xf32, #tpu.memory_space<vmem>> -> memref<200x16xf32, #tpu.memory_space<vmem>>
    tpu.wait_dma2 semaphore(%dma_wait3A_292 : memref<!tpu.dma_semaphore, #tpu.memory_space<semaphore_mem>>) src(%dma_wait3A_300 : memref<200x16xf32, #tpu.memory_space<vmem>>) dst(%dma_wait3A_296 : memref<200x16xf32, #tpu.memory_space<hbm>>)
    %dma_wait3A_301 = arith.constant 1 : i32
    %dma_wait3A_302 = arith.constant 1 : i32
    %dma_wait3A_303 = arith.constant 200 : i32
    %dma_wait3A_304 = arith.constant 0 : i32
    %dma_wait3A_305 = tpu.memref_slice %arg14[%dma_wait3A_301, %dma_wait3A_303, %dma_wait3A_304] : memref<2x400x16xf32, #tpu.memory_space<vmem>> -> memref<1x200x16xf32, #tpu.memory_space<vmem>>
    %dma_wait3A_306 = tpu.memref_squeeze %dma_wait3A_305 : memref<1x200x16xf32, #tpu.memory_space<vmem>> -> memref<200x16xf32, #tpu.memory_space<vmem>>
    %dma_wait3A_307 = arith.constant 0 : i32
    %dma_wait3A_308 = arith.constant 80 : i32
    %dma_wait3A_309 = tpu.memref_slice %arg8[%add3A_260, %dma_wait3A_307, %dma_wait3A_308] : memref<1024x200x128xf32, #tpu.memory_space<hbm>> -> memref<1x200x16xf32, #tpu.memory_space<hbm>>
    %dma_wait3A_310 = tpu.memref_squeeze %dma_wait3A_309 : memref<1x200x16xf32, #tpu.memory_space<hbm>> -> memref<200x16xf32, #tpu.memory_space<hbm>>
    %dma_wait3A_311 = tpu.memref_slice %arg16[%dma_wait3A_302] : memref<2x!tpu.dma_semaphore, #tpu.memory_space<semaphore_mem>> -> memref<1x!tpu.dma_semaphore, #tpu.memory_space<semaphore_mem>>
    %dma_wait3A_312 = tpu.memref_squeeze %dma_wait3A_311 : memref<1x!tpu.dma_semaphore, #tpu.memory_space<semaphore_mem>> -> memref<!tpu.dma_semaphore, #tpu.memory_space<semaphore_mem>>
    %dma_wait3A_313 = arith.constant 0 : i32
    %dma_wait3A_314 = arith.constant 80 : i32
    %dma_wait3A_315 = tpu.memref_slice %arg8[%add3A_260, %dma_wait3A_313, %dma_wait3A_314] : memref<1024x200x128xf32, #tpu.memory_space<hbm>> -> memref<1x200x16xf32, #tpu.memory_space<hbm>>
    %dma_wait3A_316 = tpu.memref_squeeze %dma_wait3A_315 : memref<1x200x16xf32, #tpu.memory_space<hbm>> -> memref<200x16xf32, #tpu.memory_space<hbm>>
    %dma_wait3A_317 = arith.constant 200 : i32
    %dma_wait3A_318 = arith.constant 0 : i32
    %dma_wait3A_319 = tpu.memref_slice %arg14[%dma_wait3A_301, %dma_wait3A_317, %dma_wait3A_318] : memref<2x400x16xf32, #tpu.memory_space<vmem>> -> memref<1x200x16xf32, #tpu.memory_space<vmem>>
    %dma_wait3A_320 = tpu.memref_squeeze %dma_wait3A_319 : memref<1x200x16xf32, #tpu.memory_space<vmem>> -> memref<200x16xf32, #tpu.memory_space<vmem>>
    tpu.wait_dma2 semaphore(%dma_wait3A_312 : memref<!tpu.dma_semaphore, #tpu.memory_space<semaphore_mem>>) src(%dma_wait3A_320 : memref<200x16xf32, #tpu.memory_space<vmem>>) dst(%dma_wait3A_316 : memref<200x16xf32, #tpu.memory_space<hbm>>)
    return
  }
}

</mosaic_0001>

<sc_bundles>
// kernel: kernel.3.cloned.1.call-start
scs
__scs_entry_jumppad:
0x0: {  	(pc) =	sbr.rel $0x88, $3  }
0x1: {  	(tag) =	ssettag $0x0;
	lr =	simm.s32 $0x1  }
0x2: {  	[smem:$0x3F9C] =	sst lr;
	_ =	strace $0xD0000000  }
0x3: {  	_ = 	snop  }
0x4: {  	_ = 	snop  }
0x5: {  	_ = 	snop  }
0x6: {  	_ = 	snop  }
0x7: {  	_ = 	snop  }
__scs_overlays_trampoline_lowered:
0x8: {  	[smem:$0x3FAB] =	sst s0  }
0x9: {  	[smem:$0x3FAC] =	sst s1  }
0xa: {  	[smem:$0x3FAD] =	sst s2  }
0xb: {  	[smem:$0x3FAE] =	sst s3  }
0xc: {  	[smem:$0x3FAF] =	sst s4  }
0xd: {  	[smem:$0x3FB0] =	sst s5  }
0xe: {  	[smem:$0x3FB1] =	sst s6  }
0xf: {  	[smem:$0x3FB2] =	sst s7  }
0x10: {  	[smem:$0x3FB3] =	sst s8  }
0x11: {  	[smem:$0x3FB4] =	sst s9;
	s0 =	simm.s32 @!p0 $0x0  }
0x12: {  	s1 =	sld [smem:$0x3F9A];
	s0 =	simm.s32 @p0 $0x1  }
0x13: {  	[smem:$0x3FB5] =	sst s0;
	s0 =	simm.s32 @!p1 $0x0  }
0x14: {  	s2 =	sld [smem:$0x3F99];
	s0 =	simm.s32 @p1 $0x1  }
0x15: {  	[smem:$0x3FB6] =	sst s0;
	s0 =	simm.s32 @!p2 $0x0  }
0x16: {  	s3 =	sld [smem:$0x3FDB];
	s0 =	simm.s32 @p2 $0x1  }
0x17: {  	s4 =	simm.s32 $0x1BF5;
	[smem:$0x3FB8] =	sst s0  }
0x18: {  	s0 =	sld [smem:$0x3F9B];
	_ =	swait.ge [sflag:s4], $0x0  }
0x19: {  	s7 =	sld [smem:$0x3F9C]  }
0x1a: {  	s8 =	sadd.s32 $0xFFFFE003, lr  }
0x1b: {  	s9 =	sadd.s32 $0xFFFFFEF7, lr;
	s5 =	simm.s32 $0xFFFFFFFF;
	p2 =	slt.u32 s8, $0xFFFFF086  }
0x1c: {  	p1 =	slt.u32 s9, $0xF7A;
	s5 =	simm.s32 @!p2 $0x0  }
0x1d: {  	s5 =	simm.s32 @p1 $0x1;
	p0 =	seq.s32 s7, s2  }
0x1e: {  	s7 =	smul.u32 @!p0 $0xF7A, s2;
	p2 =	seq.s32 @!p0 s5, $0x0  }
0x1f: {  	s9 =	smul.u32 $0xF7A, s1;
	s8 =	simm.s32 @!p0 $0x1BF5;
	p2 =	por !p2, p0  }
0x20: {  	[sflag:s8] =	ssyncset.s32 @!p0 $0xFFFFF086;
	s6 =	sadd.s32 @!p0 s3, s7;
	s7 =	simm.s32 @!p0 $0x108  }
0x21: {  	s3 =	sadd.s32 s3, s9;
	s6 =	sadd.s32 @!p0 $0x88, s6;
	s7 =	simm.s32 @p2 $0x1082  }
0x22: {  	[simem:s7], [sflag:s8] =	dma.local @!p0 [hbm:s6], $0xF7A  }
0x23: {  	s9 =	sor.u32 $0xD0000000, s2;
	s6 =	simm.s32 $0x108;
	_ =	swait.ge @!p0 [sflag:s8], $0x0  }
0x24: {  	s3 =	sadd.s32 $0x88, s3;
	s6 =	simm.s32 @!p1 $0x1082;
	[sflag:s4] =	ssyncset.s32 $0xFFFFF086  }
0x25: {  	[simem:s6], [sflag:s4] =	dma.local [hbm:s3], $0xF7A  }
0x26: {  	[smem:$0x3F9C] =	sst s1;
	(tag) =	ssettag s2;
	_ =	strace s9  }
0x27: {  	s1 =	sld [smem:$0x3FAC]  }
0x28: {  	s2 =	sld [smem:$0x3FAD]  }
0x29: {  	s4 =	sld [smem:$0x3FAF]  }
0x2a: {  	p0 =	seq.s32 s5, $0x0;
	s5 =	sld [smem:$0x3FB0]  }
0x2b: {  	s6 =	sld [smem:$0x3FB1]  }
0x2c: {  	s7 =	sld [smem:$0x3FB2]  }
0x2d: {  	s3 =	simm.s32 $0x108;
	s8 =	sld [smem:$0x3FB3]  }
0x2e: {  	s3 =	simm.s32 @!p0 $0x1082;
	s9 =	sld [smem:$0x3FB4]  }
0x2f: {  	lr =	sadd.s32 s0, s3;
	s0 =	sld [smem:$0x3FAB]  }
0x30: {  	s3 =	sld [smem:$0x3FAE]  }
0x31: {  	[smem:$0x3FB7] =	sst s10  }
0x32: {  	s10 =	sld [smem:$0x3FB5];
	_ =	sdelay $0x3  }
0x33: {  	p0 =	seq.s32 s10, $0x1;
	s10 =	sld [smem:$0x3FB7];
	_ =	sdelay $0x3  }
0x34: {  	[smem:$0x3FB7] =	sst s10  }
0x35: {  	s10 =	sld [smem:$0x3FB6];
	_ =	sdelay $0x3  }
0x36: {  	p1 =	seq.s32 s10, $0x1;
	s10 =	sld [smem:$0x3FB7];
	_ =	sdelay $0x3  }
0x37: {  	[smem:$0x3FB7] =	sst s10  }
0x38: {  	s10 =	sld [smem:$0x3FB8]  }
0x39: {  	_ = 	snop;
	(pc) =	sbr.ind lr, $3  }
0x3a: {  	_ = 	snop  }
0x3b: {  	_ = 	snop  }
0x3c: {  	p2 =	seq.s32 s10, $0x1;
	s10 =	sld [smem:$0x3FB7]  }
0x3d: {  	_ =	shalt  }
0x3e: {  	_ =	shalt  }
0x3f: {  	_ =	shalt  }
0x40: {  	_ =	shalt  }
0x41: {  	_ =	shalt  }
0x42: {  	_ =	shalt  }
0x43: {  	_ =	shalt  }
0x44: {  	_ =	shalt  }
0x45: {  	_ =	shalt  }
0x46: {  	_ =	shalt  }
0x47: {  	_ =	shalt  }
0x48: {  	_ =	shalt  }
0x49: {  	_ =	shalt  }
0x4a: {  	_ =	shalt  }
0x4b: {  	_ =	shalt  }
0x4c: {  	_ =	shalt  }
0x4d: {  	_ =	shalt  }
0x4e: {  	_ =	shalt  }
0x4f: {  	_ =	shalt  }
0x50: {  	_ =	shalt  }
0x51: {  	_ =	shalt  }
0x52: {  	_ =	shalt  }
0x53: {  	_ =	shalt  }
0x54: {  	_ =	shalt  }
0x55: {  	_ =	shalt  }
0x56: {  	_ =	shalt  }
0x57: {  	_ =	shalt  }
0x58: {  	_ =	shalt  }
0x59: {  	_ =	shalt  }
0x5a: {  	_ =	shalt  }
0x5b: {  	_ =	shalt  }
0x5c: {  	_ =	shalt  }
0x5d: {  	_ =	shalt  }
0x5e: {  	_ =	shalt  }
0x5f: {  	_ =	shalt  }
0x60: {  	_ =	shalt  }
0x61: {  	_ =	shalt  }
0x62: {  	_ =	shalt  }
0x63: {  	_ =	shalt  }
0x64: {  	_ =	shalt  }
0x65: {  	_ =	shalt  }
0x66: {  	_ =	shalt  }
0x67: {  	_ =	shalt  }
0x68: {  	_ =	shalt  }
0x69: {  	_ =	shalt  }
0x6a: {  	_ =	shalt  }
0x6b: {  	_ =	shalt  }
0x6c: {  	_ =	shalt  }
0x6d: {  	_ =	shalt  }
0x6e: {  	_ =	shalt  }
0x6f: {  	_ =	shalt  }
0x70: {  	_ =	shalt  }
0x71: {  	_ =	shalt  }
0x72: {  	_ =	shalt  }
0x73: {  	_ =	shalt  }
0x74: {  	_ =	shalt  }
0x75: {  	_ =	shalt  }
0x76: {  	_ =	shalt  }
0x77: {  	_ =	shalt  }
0x78: {  	_ =	shalt  }
0x79: {  	_ =	shalt  }
0x7a: {  	_ =	shalt  }
0x7b: {  	_ =	shalt  }
0x7c: {  	_ =	shalt  }
0x7d: {  	_ =	shalt  }
0x7e: {  	_ =	shalt  }
0x7f: {  	_ =	shalt  }
0x80: {  	_ =	shalt  }
0x81: {  	_ =	shalt  }
0x82: {  	_ =	shalt  }
0x83: {  	_ =	shalt  }
0x84: {  	_ =	shalt  }
0x85: {  	_ =	shalt  }
0x86: {  	_ =	shalt  }
0x87: {  	_ =	shalt  }
.Lfunc_end0:
.L_simem_size_0:
called_computation.1_lowered:
.L_overlay_start_0:
0x88: {  	s2 =	sld [smem:$0x3FD9]  }
0x89: {  	s3 =	sld [smem:$0x3FFE];
	_ =	sdelay $0x1  }
0x8a: {  	s1 =	srdreg.scid  }
0x8b: {  	s0 =	sand.u32 $0x1, s1  }
0x8c: {  	s17 =	sshll.u32 s0, $0xA;
	s2 =	sadd.s32 s3, s2  }
0x8d: {  	s2 =	sadd.s32 s2, s17  }
0x8e: {  	[smem:$0x3FC3] =	sst s2  }
0x8f: {  	_ = 	snop  }
0x90: {  	s2 =	sld [smem:$0x3FD0];
	(tm) =	ssettm $0x1  }
0x91: {  	s18 =	sld [smem:$0x3FFB];
	_ =	sdelay $0x3  }
0x92: {  	_ =	strace s18  }
0x93: {  	s3 =	sld [smem:$0x3FFC];
	_ =	sdelay $0x3  }
0x94: {  	_ =	strace s3  }
0x95: {  	s3 =	sld [smem:$0x3FFD];
	_ =	sdelay $0x3  }
0x96: {  	_ =	strace s3  }
0x97: {  	_ =	strace $0x8FFFFFFF  }
0x98: {  	s19 =	sld [smem:$0x3FDB];
	_ =	sdelay $0x1  }
0x99: {  	s4 =	simm.s32 $_scs_section_size  }
0x9a: {  	s5 =	simm.s32 $_size__tile_overlayer_lowered;
	s6 =	simm.s32 $_tile_overlayer_lowered  }
0x9b: {  	s22 =	simm.s32 $0x1BFF;
	s21 =	sshll.u32 s6, $0x1;
	s3 =	sadd.s32 s4, s19  }
0x9c: {  	s7 =	simm.s32 $0x0;
	s20 =	sshll.u32 s5, $0x1;
	s5 =	sadd.s32 s21, s3  }
0x9d: {  	[timem:s7], [sflag:s22] =	dma.local [hbm:s5], s20  }
0x9e: {  	_ =	swait.ge [sflag:s22], s20  }
0x9f: {  	s4 =	ssub.s32 $0x0, s20;
	[sflag:s22] =	ssyncset.done $0x0  }
0xa0: {  	[sflag:s22] =	ssyncadd.s32 s4;
	_ =	sdelay $0x1  }
0xa1: {  	s23 =	simm.s32 $0x1B8B  }
0xa2: {  	_ =	swait.ge [sflag:s23], $0x1  }
0xa3: {  	[sflag:s23] =	ssyncset.done $0x0  }
0xa4: {  	s25 =	simm.s32 $0x1B8E;
	s24 =	sld [smem:$0x3FFE];
	[sflag:s23] =	ssyncadd.s32 $0xFFFFFFFF  }
0xa5: {  	s26 =	simm.s32 $execute0_lowered;
	[smem:$0x3FD2] =	sst s25  }
0xa6: {  	s5 =	sshll.u32 s26, $0x1;
	_ =	strace $0x80000046;
	[dreg:$0x1] =	wrdreg $0xFFFFFFFF  }
0xa7: {  	s28 =	simm.s32 $_size_execute0_lowered;
	s3 =	sadd.s32 s3, s5;
	[dreg:$0x0] =	wrdreg $0x0  }
0xa8: {  	s5 =	sshll.u32 s28, $0x1;
	[dreg:$0x2] =	wrdreg s3  }
0xa9: {  	[dreg:$0x3] =	wrdreg s5  }
0xaa: {  	[dreg:$0x4] =	wrdreg $0xC0  }
0xab: {  	_ =	task [dreg:s7], $0x5FFFF  }
0xac: {  	[dreg:$0x1] =	wrdreg $0xFFFFFFFF  }
0xad: {  	[dreg:$0x0] =	wrdreg $0x60  }
0xae: {  	[dreg:$0x2] =	wrdreg s2  }
0xaf: {  	[dreg:$0x3] =	wrdreg s24  }
0xb0: {  	[dreg:$0x4] =	wrdreg $0x9  }
0xb1: {  	_ =	task.clear_ibuf [dreg:s7], $0x5FFFF;
	_ =	strace $0x90000046  }
0xb2: {  	s29 =	simm.s32 $0x9;
	_ =	strace $0x80000048  }
0xb3: {  	_ =	swait.ge [sflag:s29], $0x1  }
0xb4: {  	[sflag:s29] =	ssyncadd.s32 $0xFFFFFFFF  }
0xb5: {  	_ =	strace $0x90000048  }
0xb6: {  	_ =	sfence  }
0xb7: {  	s30 =	sld [smem:$0x0];
	_ =	sdelay $0x2  }
0xb8: {  	s31 =	sshll.u32 s1, $0xD;
	s1 =	sshrl.u32 s1, $0x2  }
0xb9: {  	s3 =	sand.u32 $0x4000, s31;
	s1 =	sadd.s32 s1, s30  }
0xba: {  	s0 =	sor.u32 s3, s0;
	s1 =	sshll.u32 s1, $0x11  }
0xbb: {  	s0 =	sor.u32 s1, s0  }
0xbc: {  	s0 =	sadd.s32 $0x8F2B, s0  }
0xbd: {  	[sflag:s0] =	ssyncadd.remote.s32 $0x1  }
0xbe: {  	_ =	sfence.sel $0xFFFF  }
0xbf: {  	[dreg:$0x0] =	wrdreg $0xFFFFFFFF;
	(pc) =	sbr.abs _section_cstart, $3  }
0xc0: {  	[dreg:$0x1] =	wrdreg $0xFFFFFFFF  }
0xc1: {  	_ =	task.clear_ibuf [dreg:s7], $0x2FFFF;
	_ =	strace $0x9FFFFFFF  }
0xc2: {  	(tm) =	ssettm $0x7FFFFFFF  }
0xc3: {  	_ =	shalt  }
tec
execute0_lowered:
.L_overlay_start_1:
0x0: {  	(tag) =	ssettag $0x1  }
0x1: {  	s1 =	rddreg [dreg:$0x0]  }
0x2: {  	s0 =	rddreg [dreg:$0x1];
	s3 =	simm.s32 $0x0;
	s2 =	srdreg.scid  }
0x3: {  	s15 =	stileid.u32;
	s18 =	simm.s32 $0x5;
	s19 =	simm.s32 $0x320  }
0x4: {  	s20 =	simm.s32 $0x640;
	s21 =	simm.s32 $0x80;
	s25 =	simm.s32 $0x10  }
0x5: {  	s22 =	simm.s32 $0x4;
	s23 =	simm.s32 $0x0;
	[smem:$0x7FF] =	sst s3  }
0x6: {  	s2 =	sand.u32 $0x1, s2;
	s5 =	sshll.u32 s15, $0x1;
	s11 =	smul.u32 $0x190000, s15  }
0x7: {  	s4 =	sadd.s32 $0x7400, s0;
	s6 =	sadd.s32 $0xF4FC00, s0;
	s17 =	smul.u32 $0x3200, s15  }
0x8: {  	s8 =	sadd.s32 $0xD800, s0;
	_ =	strace $0x80000047;
	s13 =	smul.u32 $0xC8000, s2  }
0x9: {  	s7 =	sor.u32 s2, s5;
	s10 =	ssub.s32 $0x2, s2;
	s2 =	smul.u32 $0x1900, s2  }
0xa: {  	s5 =	sadd.s32 $0x1000, s0;
	s9 =	smul.u32 $0x1900, s7;
	s12 =	sshrl.u32 s10, $0x1  }
0xb: {  	s7 =	sadd.s32 $0xE600, s0;
	s0 =	sadd.s32 $0xF400, s0;
	s12 =	ssub.s32 s10, s12  }
0xc: {  	s16 =	sadd.s32 s13, s11;
	s2 =	sadd.s32 s2, s17;
	s14 =	sshrl.u32 s9, $0x3  }
0xd: {  	s12 =	smax.u32 s12, $0x1;
	s13 =	sor.u32 $0x6400, s16;
	s30 =	sor.u32 $0x6440, s16  }
0xe: {  	s31 =	sor.u32 $0x6450, s16;
	s16 =	sshrl.u32 s16, $0x3;
	s26 =	sadd.s32 $0x190, s2  }
.Ltmp0:
0xf: {  	s2 =	simm.s32 $0x40;
	s9 =	sadd.s32 s1, s14;
	(pc) =	sbr.rel .LBB2_1-.Ltmp0, $4  }
0x10: {  	s28 =	sadd.s32 s4, s14;
	s29 =	sadd.s32 s5, s14;
	[dreg:$0x3] =	wrdreg s9  }
0x11: {  	s13 =	sshrl.u32 s13, $0x3;
	s14 =	sshrl.u32 s30, $0x3;
	[dreg:$0x4] =	wrdreg s28  }
0x12: {  	s15 =	sshrl.u32 s31, $0x3;
	s16 =	sadd.s32 s16, s0;
	[dreg:$0x5] =	wrdreg s29  }
0x13: {  	s13 =	sadd.s32 s13, s0;
	s14 =	sadd.s32 s14, s0;
	s15 =	sadd.s32 s15, s0  }
.LBB2_5:
0x14: {  	_ =	swait.ge [sflag:s22], $0x3200  }
0x15: {  	[sflag:s22] =	ssyncset.done $0x0  }
0x16: {  	[sflag:s22] =	ssyncadd.s32 $0xFFFFCE00  }
0x17: {  	_ =	swait.ge [sflag:s22], $0xC80  }
0x18: {  	[sflag:s22] =	ssyncset.done $0x0  }
0x19: {  	[sflag:s22] =	ssyncadd.s32 $0xFFFFF380  }
0x1a: {  	_ =	swait.ge [sflag:s22], $0xC80  }
0x1b: {  	[sflag:s22] =	ssyncset.done $0x0  }
0x1c: {  	[sflag:s22] =	ssyncadd.s32 $0xFFFFF380  }
0x1d: {  	_ =	swait.ge [sflag:s22], $0x3200  }
0x1e: {  	[sflag:s22] =	ssyncset.done $0x0  }
0x1f: {  	s23 =	sadd.s32 $0x1, s23;
	[sflag:s22] =	ssyncadd.s32 $0xFFFFCE00  }
0x20: {  	p0 =	sne.s32 s23, s12;
	_ =	swait.ge [sflag:s22], $0xC80  }
.Ltmp1:
0x21: {  	[sflag:s22] =	ssyncset.done $0x0;
	(pc) =	sbr.rel @!p0 .LBB2_6-.Ltmp1, $4  }
0x22: {  	[sflag:s22] =	ssyncadd.s32 $0xFFFFF380  }
0x23: {  	_ =	swait.ge [sflag:s22], $0xC80  }
0x24: {  	[sflag:s22] =	ssyncset.done $0x0  }
0x25: {  	[sflag:s22] =	ssyncadd.s32 $0xFFFFF380  }
.LBB2_1:
0x26: {  	s0 =	rddreg [dreg:$0x3]  }
0x27: {  	[tilespmem:s3], [sflag:$0x5] =	stream.linear.gather [hbm4b:s0+s3], $0x190, $0x38;
	[tilespmem:$0x13560] =	vst v63  }
0x28: {  	_ =	swait.ge [sflag:s18], $0x190  }
0x29: {  	[sflag:s18] =	ssyncset.done $0x0  }
0x2a: {  	s17 =	rddreg [dreg:$0x4];
	[sflag:s18] =	ssyncadd.s32 $0xFFFFFE70  }
0x2b: {  	[tilespmem:s19], [sflag:$0x5] =	stream.linear.gather [hbm4b:s17+s3], $0x190, $0x38;
	[tilespmem:$0x13560] =	vst v63  }
0x2c: {  	_ =	swait.ge [sflag:s18], $0x190  }
0x2d: {  	[sflag:s18] =	ssyncset.done $0x0  }
0x2e: {  	s24 =	rddreg [dreg:$0x5];
	[sflag:s18] =	ssyncadd.s32 $0xFFFFFE70  }
0x2f: {  	[tilespmem:s20], [sflag:$0x5] =	stream.linear.gather [hbm4b:s24+s3], $0x190, $0x38;
	[tilespmem:$0x13560] =	vst v63  }
0x30: {  	_ =	swait.ge [sflag:s18], $0x190  }
0x31: {  	[sflag:s18] =	ssyncset.done $0x0  }
0x32: {  	s29 =	simm.s32 $0x960;
	[sflag:s18] =	ssyncadd.s32 $0xFFFFFE70  }
0x33: {  	[tilespmem:s29], [sflag:$0x1] =	stream.indirect.gather [hbm4b:s6+s21], $0x40, s3, s21, $0xb8;
	[tilespmem:$0x13560] =	vst v63  }
0x34: {  	s30 =	simm.s32 $0xD160  }
0x35: {  	[tilespmem:s30], [sflag:$0x1] =	stream.indirect.gather [hbm4b:s7+s21], $0x10, s19, s21, $0xb8;
	[tilespmem:$0x13560] =	vst v63  }
0x36: {  	s31 =	simm.s32 $0x10360  }
0x37: {  	[tilespmem:s31], [sflag:$0x1] =	stream.indirect.gather [hbm4b:s8+s21], $0x10, s20, s21, $0xb8;
	[tilespmem:$0x13560] =	vst v63  }
0x38: {  	s9 =	simm.s32 $0x2960  }
0x39: {  	[tilespmem:s9], [sflag:$0x1] =	stream.indirect.gather [hbm4b:s6+s21], $0x40, s21, s21, $0xb8;
	[tilespmem:$0x13560] =	vst v63  }
0x3a: {  	s10 =	simm.s32 $0x3A0;
	s9 =	simm.s32 $0xD960  }
0x3b: {  	[tilespmem:s9], [sflag:$0x1] =	stream.indirect.gather [hbm4b:s7+s21], $0x10, s10, s21, $0xb8;
	[tilespmem:$0x13560] =	vst v63  }
0x3c: {  	s11 =	simm.s32 $0x6C0;
	s17 =	simm.s32 $0x10B60  }
0x3d: {  	[tilespmem:s17], [sflag:$0x1] =	stream.indirect.gather [hbm4b:s8+s21], $0x10, s11, s21, $0xb8;
	[tilespmem:$0x13560] =	vst v63  }
0x3e: {  	s24 =	simm.s32 $0x100;
	s29 =	simm.s32 $0x4960  }
0x3f: {  	[tilespmem:s29], [sflag:$0x1] =	stream.indirect.gather [hbm4b:s6+s21], $0x40, s24, s21, $0xb8;
	[tilespmem:$0x13560] =	vst v63  }
0x40: {  	s30 =	simm.s32 $0x420;
	s31 =	simm.s32 $0xE160  }
0x41: {  	[tilespmem:s31], [sflag:$0x1] =	stream.indirect.gather [hbm4b:s7+s21], $0x10, s30, s21, $0xb8;
	[tilespmem:$0x13560] =	vst v63  }
0x42: {  	s9 =	simm.s32 $0x740;
	s10 =	simm.s32 $0x11360  }
0x43: {  	[tilespmem:s10], [sflag:$0x1] =	stream.indirect.gather [hbm4b:s8+s21], $0x10, s9, s21, $0xb8;
	[tilespmem:$0x13560] =	vst v63  }
0x44: {  	s11 =	simm.s32 $0x180;
	s17 =	simm.s32 $0x6960  }
0x45: {  	[tilespmem:s17], [sflag:$0x1] =	stream.indirect.gather [hbm4b:s6+s25], $0x40, s11, s25, $0xb8;
	[tilespmem:$0x13560] =	vst v63  }
.Ltmp2:
0x46: {  	s28 =	simm.s32 $0x0;
	(pc) =	sbr.rel .LBB2_2-.Ltmp2, $4  }
0x47: {  	s24 =	simm.s32 $0x4A0;
	s29 =	simm.s32 $0xE960;
	s30 =	simm.s32 $0x7C0  }
0x48: {  	[tilespmem:s29], [sflag:$0x1] =	stream.indirect.gather [hbm4b:s7+s25], $0x10, s24, s25, $0xb8;
	[tilespmem:$0x13560] =	vst v63  }
0x49: {  	s31 =	simm.s32 $0x11B60;
	s17 =	smov.u32 s26;
	s24 =	simm.s32 $0x1  }
0x4a: {  	[tilespmem:s31], [sflag:$0x1] =	stream.indirect.gather [hbm4b:s8+s25], $0x10, s30, s25, $0xb8;
	[tilespmem:$0x13560] =	vst v63  }
.LBB2_4:
0x4b: {  	s0 =	sadd.s32 $0xFFFFFFFF, s24  }
0x4c: {  	s0 =	sand.u32 $0x1, s0  }
0x4d: {  	s9 =	sadd.s32 $0x1, s0  }
0x4e: {  	_ =	swait.ge [sflag:s9], $0x2000  }
0x4f: {  	[sflag:s9] =	ssyncset.done $0x0  }
0x50: {  	[sflag:s9] =	ssyncadd.s32 $0xFFFFE000  }
0x51: {  	_ =	swait.ge [sflag:s9], $0x800  }
0x52: {  	[sflag:s9] =	ssyncset.done $0x0  }
0x53: {  	[sflag:s9] =	ssyncadd.s32 $0xFFFFF800  }
0x54: {  	_ =	swait.ge [sflag:s9], $0x800  }
0x55: {  	[sflag:s9] =	ssyncset.done $0x0  }
0x56: {  	[sflag:s9] =	ssyncadd.s32 $0xFFFFF800  }
0x57: {  	_ =	swait.ge [sflag:s9], $0x2000  }
0x58: {  	[sflag:s9] =	ssyncset.done $0x0  }
0x59: {  	[sflag:s9] =	ssyncadd.s32 $0xFFFFE000  }
0x5a: {  	_ =	swait.ge [sflag:s9], $0x800  }
0x5b: {  	[sflag:s9] =	ssyncset.done $0x0  }
0x5c: {  	[sflag:s9] =	ssyncadd.s32 $0xFFFFF800  }
0x5d: {  	_ =	swait.ge [sflag:s9], $0x800  }
0x5e: {  	[sflag:s9] =	ssyncset.done $0x0  }
0x5f: {  	[sflag:s9] =	ssyncadd.s32 $0xFFFFF800  }
0x60: {  	_ =	swait.ge [sflag:s9], $0x2000  }
0x61: {  	[sflag:s9] =	ssyncset.done $0x0  }
0x62: {  	[sflag:s9] =	ssyncadd.s32 $0xFFFFE000  }
0x63: {  	_ =	swait.ge [sflag:s9], $0x800  }
0x64: {  	[sflag:s9] =	ssyncset.done $0x0  }
0x65: {  	[sflag:s9] =	ssyncadd.s32 $0xFFFFF800  }
0x66: {  	_ =	swait.ge [sflag:s9], $0x800  }
0x67: {  	[sflag:s9] =	ssyncset.done $0x0  }
0x68: {  	[sflag:s9] =	ssyncadd.s32 $0xFFFFF800  }
0x69: {  	_ =	swait.ge [sflag:s9], $0x400  }
0x6a: {  	[sflag:s9] =	ssyncset.done $0x0  }
0x6b: {  	[sflag:s9] =	ssyncadd.s32 $0xFFFFFC00  }
0x6c: {  	_ =	swait.ge [sflag:s9], $0x100  }
0x6d: {  	s10 =	smul.u32 $0x19000, s0;
	[sflag:s9] =	ssyncset.done $0x0  }
0x6e: {  	[sflag:s9] =	ssyncadd.s32 $0xFFFFFF00  }
0x6f: {  	s10 =	sshrl.u32 s10, $0x2;
	_ =	swait.ge [sflag:s9], $0x100  }
0x70: {  	s11 =	sadd.s32 s28, s16;
	s29 =	sadd.s32 $0x960, s10;
	[sflag:s9] =	ssyncset.done $0x0  }
0x71: {  	[sflag:s9] =	ssyncadd.s32 $0xFFFFFF00;
	s9 =	sadd.s32 $0x3, s0;
	s0 =	smul.u32 $0x1900, s0  }
0x72: {  	[hbm4b:s11+s2] =	stream.strided.scatter [tilespmem:s29], [sflag:s9], $0x3200, s21, s2, $0x38;
	[tilespmem:$0x13560] =	vst v63  }
0x73: {  	s31 =	sadd.s32 $0x8, s11;
	s30 =	sadd.s32 $0xD160, s0  }
0x74: {  	[hbm4b:s31+s25] =	stream.strided.scatter [tilespmem:s30], [sflag:s9], $0xC80, s21, s25, $0x38;
	[tilespmem:$0x13560] =	vst v63  }
0x75: {  	s11 =	sadd.s32 $0xA, s11;
	s30 =	sadd.s32 $0x10360, s0  }
0x76: {  	[hbm4b:s11+s25] =	stream.strided.scatter [tilespmem:s30], [sflag:s9], $0xC80, s21, s25, $0x38;
	[tilespmem:$0x13560] =	vst v63  }
0x77: {  	s10 =	sadd.s32 $0x3B60, s10;
	s31 =	sadd.s32 s28, s13  }
0x78: {  	[hbm4b:s31+s2] =	stream.strided.scatter [tilespmem:s10], [sflag:s9], $0x3200, s21, s2, $0x38;
	[tilespmem:$0x13560] =	vst v63  }
0x79: {  	s29 =	sadd.s32 s28, s14;
	s31 =	sadd.s32 s28, s15;
	s28 =	sadd.s32 $0x1900, s28  }
0x7a: {  	p0 =	sne.s32 s28, $0x19000  }
.Ltmp3:
0x7b: {  	_ = 	snop;
	(pc) =	sbr.rel @!p0 .LBB2_5-.Ltmp3, $4  }
0x7c: {  	s30 =	sadd.s32 $0xDDE0, s0  }
0x7d: {  	[hbm4b:s29+s25] =	stream.strided.scatter [tilespmem:s30], [sflag:s9], $0xC80, s21, s25, $0x38;
	[tilespmem:$0x13560] =	vst v63  }
0x7e: {  	s24 =	sadd.s32 $0x1, s24;
	s17 =	sadd.s32 $0x190, s17;
	s0 =	sadd.s32 $0x10FE0, s0  }
0x7f: {  	[hbm4b:s31+s25] =	stream.strided.scatter [tilespmem:s0], [sflag:s9], $0xC80, s21, s25, $0x38;
	[tilespmem:$0x13560] =	vst v63  }
.LBB2_2:
0x80: {  	s29 =	sand.u32 $0x1, s24;
	p0 =	seq.s32 s28, $0x0  }
0x81: {  	s30 =	sadd.s32 @!p0 $0x3, s29  }
0x82: {  	_ =	swait.ge @!p0 [sflag:s30], $0x3200  }
0x83: {  	[sflag:s30] =	ssyncset.done @!p0 $0x0  }
0x84: {  	[sflag:s30] =	ssyncadd.s32 @!p0 $0xFFFFCE00  }
0x85: {  	_ =	swait.ge @!p0 [sflag:s30], $0xC80  }
0x86: {  	[sflag:s30] =	ssyncset.done @!p0 $0x0  }
0x87: {  	[sflag:s30] =	ssyncadd.s32 @!p0 $0xFFFFF380  }
0x88: {  	_ =	swait.ge @!p0 [sflag:s30], $0xC80  }
0x89: {  	[sflag:s30] =	ssyncset.done @!p0 $0x0  }
0x8a: {  	[sflag:s30] =	ssyncadd.s32 @!p0 $0xFFFFF380  }
0x8b: {  	_ =	swait.ge @!p0 [sflag:s30], $0x3200  }
0x8c: {  	[sflag:s30] =	ssyncset.done @!p0 $0x0  }
0x8d: {  	p1 =	seq.s32 @!p0 s28, $0x17700;
	[sflag:s30] =	ssyncadd.s32 @!p0 $0xFFFFCE00  }
0x8e: {  	p1 =	por p0, !p1;
	_ =	swait.ge @!p0 [sflag:s30], $0xC80  }
.Ltmp4:
0x8f: {  	[sflag:s30] =	ssyncset.done @!p0 $0x0;
	(pc) =	sbr.rel @!p1 .LBB2_4-.Ltmp4, $4  }
0x90: {  	[sflag:s30] =	ssyncadd.s32 @!p0 $0xFFFFF380  }
0x91: {  	_ =	swait.ge @!p0 [sflag:s30], $0xC80  }
0x92: {  	[sflag:s30] =	ssyncset.done @!p0 $0x0  }
0x93: {  	[sflag:s30] =	ssyncadd.s32 @!p0 $0xFFFFF380  }
0x94: {  	s30 =	smul.u32 $0x190, s29;
	s31 =	sshrl.u32 s17, $0x3  }
0x95: {  	s0 =	sadd.s32 s1, s31  }
0x96: {  	[tilespmem:s30], [sflag:$0x5] =	stream.linear.gather [hbm4b:s0+s3], $0x190, $0x38;
	[tilespmem:$0x13560] =	vst v63  }
0x97: {  	_ =	swait.ge [sflag:s18], $0x190  }
0x98: {  	[sflag:s18] =	ssyncset.done $0x0  }
0x99: {  	s9 =	sadd.s32 s4, s31;
	s0 =	sadd.s32 $0x320, s30;
	[sflag:s18] =	ssyncadd.s32 $0xFFFFFE70  }
0x9a: {  	[tilespmem:s0], [sflag:$0x5] =	stream.linear.gather [hbm4b:s9+s3], $0x190, $0x38;
	[tilespmem:$0x13560] =	vst v63  }
0x9b: {  	_ =	swait.ge [sflag:s18], $0x190  }
0x9c: {  	s11 =	smul.u32 $0x19000, s29;
	[sflag:s18] =	ssyncset.done $0x0  }
0x9d: {  	s31 =	sadd.s32 s5, s31;
	s9 =	sadd.s32 $0x640, s30;
	[sflag:s18] =	ssyncadd.s32 $0xFFFFFE70  }
0x9e: {  	[tilespmem:s9], [sflag:$0x5] =	stream.linear.gather [hbm4b:s31+s3], $0x190, $0x38;
	[tilespmem:$0x13560] =	vst v63  }
0x9f: {  	_ =	swait.ge [sflag:s18], $0x190  }
0xa0: {  	s31 =	sshrl.u32 s11, $0x2;
	s11 =	sadd.s32 $0x1, s29;
	[sflag:s18] =	ssyncset.done $0x0  }
0xa1: {  	s29 =	smul.u32 $0x1900, s29;
	s10 =	sadd.s32 $0x960, s31;
	[sflag:s18] =	ssyncadd.s32 $0xFFFFFE70  }
0xa2: {  	[tilespmem:s10], [sflag:s11] =	stream.indirect.gather [hbm4b:s6+s21], $0x40, s30, s21, $0xb8;
	[tilespmem:$0x13560] =	vst v63  }
0xa3: {  	s10 =	sadd.s32 $0xD160, s29  }
0xa4: {  	[tilespmem:s10], [sflag:s11] =	stream.indirect.gather [hbm4b:s7+s21], $0x10, s0, s21, $0xb8;
	[tilespmem:$0x13560] =	vst v63  }
0xa5: {  	s10 =	sadd.s32 $0x10360, s29  }
0xa6: {  	[tilespmem:s10], [sflag:s11] =	stream.indirect.gather [hbm4b:s8+s21], $0x10, s9, s21, $0xb8;
	[tilespmem:$0x13560] =	vst v63  }
0xa7: {  	s9 =	sadd.s32 $0x2960, s31;
	s10 =	sadd.s32 $0x80, s30  }
0xa8: {  	[tilespmem:s9], [sflag:s11] =	stream.indirect.gather [hbm4b:s6+s21], $0x40, s10, s21, $0xb8;
	[tilespmem:$0x13560] =	vst v63  }
0xa9: {  	s9 =	sadd.s32 $0xD960, s29;
	s10 =	sadd.s32 $0x3A0, s30  }
0xaa: {  	[tilespmem:s9], [sflag:s11] =	stream.indirect.gather [hbm4b:s7+s21], $0x10, s10, s21, $0xb8;
	[tilespmem:$0x13560] =	vst v63  }
0xab: {  	s9 =	sadd.s32 $0x10B60, s29;
	s10 =	sadd.s32 $0x6C0, s30  }
0xac: {  	[tilespmem:s9], [sflag:s11] =	stream.indirect.gather [hbm4b:s8+s21], $0x10, s10, s21, $0xb8;
	[tilespmem:$0x13560] =	vst v63  }
0xad: {  	s9 =	sadd.s32 $0x4960, s31;
	s10 =	sadd.s32 $0x100, s30  }
0xae: {  	[tilespmem:s9], [sflag:s11] =	stream.indirect.gather [hbm4b:s6+s21], $0x40, s10, s21, $0xb8;
	[tilespmem:$0x13560] =	vst v63  }
0xaf: {  	s9 =	sadd.s32 $0xE160, s29;
	s10 =	sadd.s32 $0x420, s30  }
0xb0: {  	[tilespmem:s9], [sflag:s11] =	stream.indirect.gather [hbm4b:s7+s21], $0x10, s10, s21, $0xb8;
	[tilespmem:$0x13560] =	vst v63  }
0xb1: {  	s9 =	sadd.s32 $0x11360, s29;
	s10 =	sadd.s32 $0x740, s30  }
0xb2: {  	[tilespmem:s9], [sflag:s11] =	stream.indirect.gather [hbm4b:s8+s21], $0x10, s10, s21, $0xb8;
	[tilespmem:$0x13560] =	vst v63  }
0xb3: {  	s10 =	sadd.s32 $0x6960, s31;
	s31 =	sadd.s32 $0x180, s30  }
0xb4: {  	[tilespmem:s10], [sflag:s11] =	stream.indirect.gather [hbm4b:s6+s25], $0x40, s31, s25, $0xb8;
	[tilespmem:$0x13560] =	vst v63  }
.Ltmp5:
0xb5: {  	_ = 	snop;
	(pc) =	sbr.rel .LBB2_4-.Ltmp5, $4  }
0xb6: {  	s9 =	sadd.s32 $0xE960, s29;
	s10 =	sadd.s32 $0x4A0, s30  }
0xb7: {  	[tilespmem:s9], [sflag:s11] =	stream.indirect.gather [hbm4b:s7+s25], $0x10, s10, s25, $0xb8;
	[tilespmem:$0x13560] =	vst v63  }
0xb8: {  	s29 =	sadd.s32 $0x11B60, s29;
	s31 =	sadd.s32 $0x7C0, s30  }
0xb9: {  	[tilespmem:s29], [sflag:s11] =	stream.indirect.gather [hbm4b:s8+s25], $0x10, s31, s25, $0xb8;
	[tilespmem:$0x13560] =	vst v63  }
.LBB2_6:
0xba: {  	_ =	sfence.sel $0x180000  }
0xbb: {  	[bflag:$0x0] =	sbarrier.arrive $0xFFFF  }
0xbc: {  	_ =	strace $0x90000047  }
0xbd: {  	s0 =	stileid.u32;
	[bflag:$0x2] =	sbarrier.arrive $0xFFFF  }
0xbe: {  	p0 =	sne.s32 s0, $0x0;
	s0 =	rddreg [dreg:$0x2]  }
0xbf: {  	s0 =	sadd.s32 @!p0 $0x100000, s0  }
0xc0: {  	[sflag:s0] =	ssyncadd.tile.s32 @!p0 $0x1;
	_ =	shalt  }
.Lfunc_end2:
_tile_overlayer_lowered:
.L_overlay_start_2:
0xc1: {  	(tag) =	ssettag $0x2  }
0xc2: {  	s0 =	rddreg [dreg:$0x0];
	s2 =	stileid.u32  }
0xc3: {  	s1 =	rddreg [dreg:$0x1];
	p0 =	sne.s32 s2, $0x0  }
0xc4: {  	s3 =	rddreg [dreg:$0x2];
	[bflag:$0x3] =	sbarrier.arrive $0xFFFF;
	s2 =	simm.s32 @!p0 $0x1C05  }
0xc5: {  	[timem:s3], [sflag:s2] =	dma.local @!p0 [hbm:s0], s1  }
0xc6: {  	s0 =	simm.s32 @!p0 $0x5  }
0xc7: {  	_ =	swait.ge @!p0 [sflag:s0], s1  }
0xc8: {  	s1 =	ssub.s32 @!p0 $0x0, s1;
	[sflag:s0] =	ssyncset.done @!p0 $0x0  }
0xc9: {  	[sflag:s0] =	ssyncadd.s32 @!p0 s1  }
0xca: {  	[bflag:$0x3] =	sbarrier.arrive $0xFFFF  }
0xcb: {  	_ =	shalt  }

// kernel: sparse-core-data-format-call.cloned.1.call-start
scs
called_computation_lowered:
.L_overlay_start_0:
0x0: {  	s2 =	sld [smem:$0x3FD9]  }
0x1: {  	s3 =	sld [smem:$0x3FFE];
	_ =	sdelay $0x1  }
0x2: {  	s1 =	srdreg.scid  }
0x3: {  	s0 =	sand.u32 $0x1, s1  }
0x4: {  	s18 =	sshll.u32 s0, $0xA;
	s2 =	sadd.s32 s3, s2  }
0x5: {  	s2 =	sadd.s32 s2, s18  }
0x6: {  	[smem:$0x3FC3] =	sst s2  }
0x7: {  	_ = 	snop  }
0x8: {  	s2 =	sld [smem:$0x3FD0];
	(tm) =	ssettm $0x1  }
0x9: {  	s19 =	sld [smem:$0x3FFB];
	_ =	sdelay $0x3  }
0xa: {  	_ =	strace s19  }
0xb: {  	s3 =	sld [smem:$0x3FFC];
	_ =	sdelay $0x3  }
0xc: {  	_ =	strace s3  }
0xd: {  	s3 =	sld [smem:$0x3FFD];
	_ =	sdelay $0x3  }
0xe: {  	_ =	strace s3  }
0xf: {  	_ =	strace $0x8FFFFFFF  }
0x10: {  	s20 =	sld [smem:$0x3FDB];
	_ =	sdelay $0x1  }
0x11: {  	s4 =	simm.s32 $_scs_section_size  }
0x12: {  	s5 =	simm.s32 $_size__tile_overlayer_lowered;
	s6 =	simm.s32 $_tile_overlayer_lowered  }
0x13: {  	s23 =	simm.s32 $0x1BFF;
	s22 =	sshll.u32 s6, $0x1;
	s3 =	sadd.s32 s4, s20  }
0x14: {  	s7 =	simm.s32 $0x0;
	s21 =	sshll.u32 s5, $0x1;
	s5 =	sadd.s32 s22, s3  }
0x15: {  	[timem:s7], [sflag:s23] =	dma.local [hbm:s5], s21  }
0x16: {  	_ =	swait.ge [sflag:s23], s21  }
0x17: {  	s4 =	ssub.s32 $0x0, s21;
	[sflag:s23] =	ssyncset.done $0x0  }
0x18: {  	[sflag:s23] =	ssyncadd.s32 s4;
	_ =	sdelay $0x1  }
0x19: {  	s24 =	simm.s32 $0x1B8B  }
0x1a: {  	_ =	swait.ge [sflag:s24], $0x1  }
0x1b: {  	[sflag:s24] =	ssyncset.done $0x0  }
0x1c: {  	s26 =	simm.s32 $0x1B8E;
	s25 =	sld [smem:$0x3FFE];
	[sflag:s24] =	ssyncadd.s32 $0xFFFFFFFF  }
0x1d: {  	s27 =	simm.s32 $execute0_lowered;
	[smem:$0x3FD2] =	sst s26  }
0x1e: {  	s5 =	sshll.u32 s27, $0x1;
	_ =	strace $0x80000049;
	[dreg:$0x1] =	wrdreg $0xFFFFFFFF  }
0x1f: {  	s28 =	simm.s32 $_size_execute0_lowered;
	s3 =	sadd.s32 s3, s5;
	[dreg:$0x0] =	wrdreg $0x0  }
0x20: {  	s5 =	sshll.u32 s28, $0x1;
	[dreg:$0x2] =	wrdreg s3  }
0x21: {  	[dreg:$0x3] =	wrdreg s5  }
0x22: {  	[dreg:$0x4] =	wrdreg $0xC0  }
0x23: {  	_ =	task [dreg:s7], $0x5FFFF  }
0x24: {  	[dreg:$0x1] =	wrdreg $0xFFFFFFFF  }
0x25: {  	[dreg:$0x0] =	wrdreg $0x60  }
0x26: {  	[dreg:$0x2] =	wrdreg s25  }
0x27: {  	[dreg:$0x3] =	wrdreg s2  }
0x28: {  	[dreg:$0x4] =	wrdreg $0x9  }
0x29: {  	_ =	task.clear_ibuf [dreg:s7], $0x5FFFF;
	_ =	strace $0x90000049  }
0x2a: {  	s29 =	simm.s32 $0x9;
	_ =	strace $0x8000004B  }
0x2b: {  	_ =	swait.ge [sflag:s29], $0x1  }
0x2c: {  	[sflag:s29] =	ssyncadd.s32 $0xFFFFFFFF  }
0x2d: {  	_ =	strace $0x9000004B  }
0x2e: {  	_ =	sfence  }
0x2f: {  	s30 =	sld [smem:$0x0];
	_ =	sdelay $0x2  }
0x30: {  	s31 =	sshll.u32 s1, $0xD;
	s1 =	sshrl.u32 s1, $0x2  }
0x31: {  	s3 =	sand.u32 $0x4000, s31;
	s1 =	sadd.s32 s1, s30  }
0x32: {  	s0 =	sor.u32 s3, s0;
	s1 =	sshll.u32 s1, $0x11  }
0x33: {  	s0 =	sor.u32 s1, s0  }
0x34: {  	s0 =	sadd.s32 $0x8F2B, s0  }
0x35: {  	[sflag:s0] =	ssyncadd.remote.s32 $0x1  }
0x36: {  	_ =	sfence.sel $0xFFFF  }
0x37: {  	[dreg:$0x0] =	wrdreg $0xFFFFFFFF;
	(pc) =	sbr.abs _section_cstart, $3  }
0x38: {  	[dreg:$0x1] =	wrdreg $0xFFFFFFFF  }
0x39: {  	_ =	task.clear_ibuf [dreg:s7], $0x2FFFF;
	_ =	strace $0x9FFFFFFF  }
0x3a: {  	(tm) =	ssettm $0x7FFFFFFF  }
0x3b: {  	_ =	shalt  }
tec
execute0_lowered:
.L_overlay_start_1:
0x0: {  	(tag) =	ssettag $0x1  }
0x1: {  	s4 =	rddreg [dreg:$0x0]  }
0x2: {  	s0 =	stileid.u32;
	s2 =	rddreg [dreg:$0x1]  }
0x3: {  	s7 =	srdreg.scid;
	s8 =	simm.s32 $0x2;
	s16 =	simm.s32 $0x0  }
0x4: {  	s9 =	simm.s32 $0x2000;
	s15 =	simm.s32 $0x0;
	s1 =	sshll.u32 s0, $0x7  }
0x5: {  	s10 =	simm.s32 $0x0;
	s11 =	simm.s32 $0x0;
	s3 =	sand.u32 $0x380, s1  }
0x6: {  	s14 =	simm.s32 $0x0;
	s7 =	sshll.u32 s7, $0x4;
	s5 =	ssub.s32 $0x400, s3  }
0x7: {  	s4 =	sadd.s32 $0xF400, s4;
	s1 =	rddreg [dreg:$0x2];
	s6 =	sand.u32 $0x380, s5  }
0x8: {  	s7 =	sand.u32 $0x10, s7;
	p0 =	sne.s32 s6, $0x0;
	s6 =	simm.s32 $0x1  }
.Ltmp0:
0x9: {  	s5 =	sshrl.u32 s5, $0xA;
	s6 =	simm.s32 @!p0 $0x0;
	(pc) =	sbr.rel .LBB1_1-.Ltmp0, $4  }
0xa: {  	_ =	strace $0x8000004A;
	s7 =	sor.u32 s0, s7;
	s6 =	sadd.s32 s6, s5  }
0xb: {  	s7 =	sshrl.u32 s7, $0x3;
	s5 =	simm.s32 $0x1;
	s6 =	smul.u32 $0x32, s6  }
0xc: {  	s13 =	smov.u32 s3;
	s12 =	smov.u32 s7;
	[sflag:s5] =	ssyncpa.u1 $0x0  }
0xd: {  	p0 =	por $0x0, $0x0;
	[sflag:s8] =	ssyncpa.u1 $0x0;
	s8 =	sor.u32 $0x1, s6  }
.LBB1_4:
0xe: {  	s21 =	sshra.s32 s21, $0x2  }
0xf: {  	v5 =	vld [tilespmem:s18+$0xFFFFFFD0];
	s30 =	sshrl.u32 s11, $0x7;
	p1 =	sgt.s32 s10, $0xC7;
	s22 =	smov.u32 s10  }
0x10: {  	[tilespmem:s19+$0x2040 ss:$0x81] =	vst.msk $0xffff, v4;
	s23 =	sshra.s32 s10, $0x1F;
	v58 =	vld [tilespmem:s18+$0xFFFFFFE0];
	s25 =	sshra.s32 s11, $0x1F;
	s27 =	smul.u32 $0x3000, s10  }
0x11: {  	[tilespmem:s19+$0x2850 ss:$0x81] =	vst.msk $0xffff, v3;
	v59 =	vld [tilespmem:s18+$0xFFFFFFF0];
	s28 =	sshrl.u32 s11, $0x3;
	s20 =	sadd.s32 s21, s20;
	s21 =	sand.u32 $0x3FFFFF, s30  }
0x12: {  	[tilespmem:s19+$0x3060 ss:$0x81] =	vst.msk $0xffff, v2;
	v60 =	vld [tilespmem:s18+$0x0];
	s22 =	simm.s32 @!p1 $0xC7;
	s23 =	sand.u32 s23, s10;
	p1 =	sgt.s32 s11, $0x380  }
0x13: {  	[tilespmem:s19+$0x0 ss:$0x81] =	vst.msk $0xffff, v1;
	v61 =	vld [tilespmem:s18+$0x10];
	s25 =	sand.u32 s25, s11;
	s22 =	ssub.s32 s22, s23;
	s23 =	smov.u32 s11  }
0x14: {  	s24 =	smulhi.u32 $0x2AAAAAB, s21;
	[tilespmem:s20+$0x3870 ss:$0x81] =	vst.msk $0xffff, v0;
	s31 =	ssub.s32 $0xC8, s22;
	s23 =	simm.s32 @!p1 $0x380  }
0x15: {  	v62 =	vld [tilespmem:s18+$0x20];
	s22 =	sadd.s32 $0xFFFFFF39, s22;
	s23 =	ssub.s32 s23, s25;
	s19 =	smul.u32 $0x60, s31;
	[tilespmem:s20+$0x810 ss:$0x81] =	vst.msk $0xffff, v5  }
0x16: {  	v63 =	vld [tilespmem:s18+$0xFFFFFFC0];
	s24 =	smul.u32 $0x60, s24;
	p1 =	sgt.s32 s22, $0x0;
	s26 =	sadd.s32 $0xFFFFFC80, s23;
	[tilespmem:s20+$0x1020 ss:$0x81] =	vst.msk $0xffff, v58  }
0x17: {  	s18 =	ssub.s32 $0x400, s23;
	[tilespmem:s20+$0x1830 ss:$0x81] =	vst.msk $0xffff, v59;
	s19 =	simm.s32 @p1 $0x0;
	p1 =	sgt.s32 s26, $0x7F  }
0x18: {  	s29 =	sand.u32 $0x7, s11;
	s22 =	sadd.s32 s2, s27;
	[tilespmem:s20+$0x2040 ss:$0x81] =	vst.msk $0xffff, v60;
	s18 =	simm.s32 @p1 $0x0  }
0x19: {  	[tilespmem:s20+$0x2850 ss:$0x81] =	vst.msk $0xffff, v61;
	s21 =	ssub.s32 s21, s24;
	s18 =	smul.u32 s18, s19;
	s19 =	sand.u32 $0xF, s28  }
0x1a: {  	s30 =	sshll.u32 s29, $0x12;
	[tilespmem:s20+$0x3060 ss:$0x81] =	vst.msk $0xffff, v62;
	s21 =	sshll.u32 s21, $0x7;
	s19 =	sadd.s32 s19, s22  }
0x1b: {  	s31 =	sor.u32 $0x400, s30;
	[tilespmem:s20+$0x0 ss:$0x81] =	vst.msk $0xffff, v63;
	s18 =	sand.u32 $0x3FFFFFE0, s18;
	s19 =	sadd.s32 s21, s19  }
0x1c: {  	[hbm4b:s19+s31] =	stream.strided.scatter [tilespmem:s17], [sflag:$0x2], s18, s9, s31, $0x20;
	[tilespmem:$0x10100] =	vst v63  }
.LBB1_5:
0x1d: {  	p1 =	slt.u32 s14, $0x2  }
0x1e: {  	s18 =	smov.u32 s16;
	p2 =	sgt.s32 @!p1 s16, $0xC7;
	s17 =	sshra.s32 @!p1 s16, $0x1F  }
0x1f: {  	p3 =	sgt.s32 @!p1 s15, $0x380;
	s19 =	sshra.s32 @!p1 s15, $0x1F;
	p2 =	por !p2, p1  }
0x20: {  	s16 =	sand.u32 @!p1 s17, s16;
	p3 =	por !p3, p1;
	s17 =	smov.u32 s15  }
0x21: {  	s15 =	sand.u32 @!p1 s19, s15;
	s18 =	simm.s32 @p2 $0xC7;
	s17 =	simm.s32 @p3 $0x380  }
0x22: {  	s19 =	smov.u32 s13;
	s16 =	ssub.s32 @!p1 s18, s16;
	s15 =	ssub.s32 @!p1 s17, s15  }
0x23: {  	s17 =	sadd.s32 @!p1 $0xFFFFFF39, s16;
	s16 =	ssub.s32 @!p1 $0xC8, s16;
	s18 =	sadd.s32 @!p1 $0xFFFFFC80, s15  }
0x24: {  	p2 =	sgt.s32 @!p1 s17, $0x0;
	s16 =	smul.u32 @!p1 $0x60, s16;
	p3 =	sgt.s32 @!p1 s18, $0x7F  }
0x25: {  	s15 =	ssub.s32 @!p1 $0x400, s15;
	p2 =	por !p2, p1;
	p3 =	por !p3, p1  }
0x26: {  	s17 =	sadd.s32 $0x4, s12;
	s16 =	simm.s32 @!p2 $0x0;
	s15 =	simm.s32 @!p3 $0x0  }
0x27: {  	p2 =	sgt.s32 s17, $0xC7;
	s15 =	smul.u32 @!p1 s15, s16;
	s16 =	sadd.s32 $0x400, s13  }
0x28: {  	s19 =	smov.u32 @p2 s16  }
0x29: {  	s17 =	smov.u32 @p2 s7;
	p2 =	sgt.s32 s19, $0x3FF  }
0x2a: {  	s19 =	smov.u32 @p2 s3;
	p2 =	sne.s32 s14, s8  }
.Ltmp1:
0x2b: {  	p0 =	por !p0, !p0;
	s18 =	simm.s32 @!p1 $0x2;
	(pc) =	sbr.rel @!p2 .LBB1_6-.Ltmp1, $4  }
0x2c: {  	s16 =	smov.u32 s10;
	s10 =	smov.u32 s12;
	s15 =	sand.u32 @!p1 $0x3FFFFFE0, s15  }
0x2d: {  	s12 =	smov.u32 s17;
	_ =	swait.ge @!p1 [sflag:s18], s15;
	s20 =	ssub.s32 @!p1 $0x0, s15  }
0x2e: {  	s15 =	smov.u32 s11;
	s14 =	sadd.s32 $0x1, s14;
	[sflag:s18] =	ssyncset.done @!p1 $0x0  }
0x2f: {  	s11 =	smov.u32 s13;
	s13 =	smov.u32 s19;
	[sflag:s18] =	ssyncadd.s32 @!p1 s20  }
.LBB1_1:
0x30: {  	p1 =	sge.u32 s14, s6  }
0x31: {  	s17 =	sand.u32 @!p1 $0x1FFFFFF, s12  }
0x32: {  	s18 =	smulhi.u32 @!p1 $0x147AE15, s17;
	_ =	sdelay $0x1  }
0x33: {  	s18 =	smul.u32 @!p1 $0xC8, s18  }
0x34: {  	s19 =	sxor.u32 @!p1 $0xFFFFFFFF, s14;
	s20 =	smul.u32 @!p1 $0xC80, s13  }
0x35: {  	s31 =	sadd.s32 $0xFFFFFFFF, s14;
	s19 =	sshll.u32 @!p1 s19, $0xE;
	s17 =	ssub.s32 @!p1 s17, s18  }
0x36: {  	s18 =	sand.u32 @!p1 $0x4000, s19;
	s19 =	sadd.s32 @!p1 s4, s20;
	s17 =	sshll.u32 @!p1 s17, $0x4  }
0x37: {  	s20 =	simm.s32 @!p1 $0x6400;
	s17 =	sadd.s32 @!p1 s17, s19;
	s19 =	simm.s32 @!p1 $0x80  }
0x38: {  	[tilespmem:s18], [sflag:$0x1] =	stream.strided.gather @!p1 [hbm4b:s17+s19], $0x4000, s20, s19, $0x38;
	[tilespmem:$0x10100] =	vst v63  }
0x39: {  	p1 =	sge.u32 s31, s6  }
.Ltmp2:
0x3a: {  	_ = 	snop;
	(pc) =	sbr.rel @p1 .LBB1_5-.Ltmp2, $1  }
0x3b: {  	_ =	sdelay $0x3  }
0x3c: {  	s17 =	simm.s32 $0x1  }
0x3d: {  	_ =	swait.ge [sflag:s5], $0x4000;
	s17 =	simm.s32 @!p0 $0x0  }
0x3e: {  	[sflag:s5] =	ssyncset.done $0x0;
	s18 =	sshll.u32 s17, $0xE  }
0x3f: {  	[sflag:s5] =	ssyncadd.s32 $0xFFFFC000;
	s18 =	sor.u32 $0x40, s18  }
0x40: {  	s17 =	smul.u32 $0x10200, s17;
	v0 =	vld [tilespmem:s18+$0x30]  }
0x41: {  	v1 =	vld [tilespmem:s18+$0xFFFFFFD0]  }
0x42: {  	s17 =	sshrl.u32 s17, $0x2;
	v5 =	vld [tilespmem:s18+$0xFFFFFFE0]  }
0x43: {  	v6 =	vld [tilespmem:s18+$0xFFFFFFF0];
	s20 =	sor.u32 $0x8000, s17  }
0x44: {  	s31 =	sand.u32 $0x1, s14;
	v4 =	vld [tilespmem:s18+$0x0];
	s19 =	sadd.s32 $0x0, s20  }
0x45: {  	v3 =	vld [tilespmem:s18+$0x10];
	s17 =	smul.u32 $0x10200, s31;
	[tilespmem:s19+$0x3870 ss:$0x81] =	vst.msk $0xffff, v0  }
0x46: {  	v2 =	vld [tilespmem:s18+$0x20];
	[tilespmem:s19+$0x810 ss:$0x81] =	vst.msk $0xffff, v1  }
0x47: {  	s17 =	sshrl.u32 s17, $0x2;
	v1 =	vld [tilespmem:s18+$0xFFFFFFC0];
	[tilespmem:s19+$0x1020 ss:$0x81] =	vst.msk $0xffff, v5;
	s18 =	sadd.s32 $0x80, s18  }
0x48: {  	s21 =	simm.s32 $0x4;
	s22 =	simm.s32 $0x8;
	s17 =	sor.u32 $0x8000, s17;
	[tilespmem:s19+$0x1830 ss:$0x81] =	vst.msk $0xffff, v6;
	v0 =	vld [tilespmem:s18+$0x30]  }
.LBB1_3:
0x49: {  	p1 =	sne.s32 s22, $0x1FC;
	v5 =	vld [tilespmem:s18+$0xFFFFFFD0];
	[tilespmem:s19+$0x2040 ss:$0x81] =	vst.msk $0xffff, v4  }
0x4a: {  	v6 =	vld [tilespmem:s18+$0xFFFFFFE0];
	[tilespmem:s19+$0x2850 ss:$0x81] =	vst.msk $0xffff, v3  }
0x4b: {  	s23 =	sshra.s32 s21, $0x2;
	s21 =	smov.u32 s22;
	v7 =	vld [tilespmem:s18+$0xFFFFFFF0];
	[tilespmem:s19+$0x3060 ss:$0x81] =	vst.msk $0xffff, v2  }
.Ltmp3:
0x4c: {  	v4 =	vld [tilespmem:s18+$0x0];
	[tilespmem:s19+$0x0 ss:$0x81] =	vst.msk $0xffff, v1;
	s19 =	sadd.s32 s23, s20;
	(pc) =	sbr.rel @p1 .LBB1_3-.Ltmp3, $4  }
0x4d: {  	v3 =	vld [tilespmem:s18+$0x10];
	[tilespmem:s19+$0x3870 ss:$0x81] =	vst.msk $0xffff, v0  }
0x4e: {  	[tilespmem:s19+$0x810 ss:$0x81] =	vst.msk $0xffff, v5;
	v2 =	vld [tilespmem:s18+$0x20]  }
0x4f: {  	v1 =	vld [tilespmem:s18+$0xFFFFFFC0];
	[tilespmem:s19+$0x1020 ss:$0x81] =	vst.msk $0xffff, v6;
	s18 =	sadd.s32 $0x80, s18  }
0x50: {  	s22 =	sadd.s32 $0x4, s22;
	v0 =	vld [tilespmem:s18+$0x30];
	[tilespmem:s19+$0x1830 ss:$0x81] =	vst.msk $0xffff, v7  }
.Ltmp4:
0x51: {  	_ = 	snop;
	(pc) =	sbr.rel .LBB1_4-.Ltmp4, $1  }
0x52: {  	_ =	sdelay $0x3  }
.LBB1_6:
0x53: {  	_ =	sfence.sel $0x180000  }
0x54: {  	s2 =	simm.s32 $0x1;
	[bflag:$0x0] =	sbarrier.arrive $0xFFFF  }
0x55: {  	s31 =	simm.s32 $0x2;
	[sflag:s2] =	ssyncpa.u1 $0x1  }
0x56: {  	[sflag:s31] =	ssyncpa.u1 $0x1  }
0x57: {  	p0 =	sne.s32 s0, $0x0;
	_ =	strace $0x9000004A  }
0x58: {  	s0 =	sadd.s32 @!p0 $0x100000, s1;
	[bflag:$0x2] =	sbarrier.arrive $0xFFFF  }
0x59: {  	[sflag:s0] =	ssyncadd.tile.s32 @!p0 $0x1;
	_ =	shalt  }
.Lfunc_end1:
_tile_overlayer_lowered:
.L_overlay_start_2:
0x5a: {  	(tag) =	ssettag $0x2  }
0x5b: {  	s0 =	rddreg [dreg:$0x0];
	s2 =	stileid.u32  }
0x5c: {  	s1 =	rddreg [dreg:$0x1];
	p0 =	sne.s32 s2, $0x0  }
0x5d: {  	s3 =	rddreg [dreg:$0x2];
	[bflag:$0x3] =	sbarrier.arrive $0xFFFF;
	s2 =	simm.s32 @!p0 $0x1C01  }
0x5e: {  	[timem:s3], [sflag:s2] =	dma.local @!p0 [hbm:s0], s1  }
0x5f: {  	s0 =	simm.s32 @!p0 $0x1  }
0x60: {  	_ =	swait.ge @!p0 [sflag:s0], s1  }
0x61: {  	s1 =	ssub.s32 @!p0 $0x0, s1;
	[sflag:s0] =	ssyncset.done @!p0 $0x0  }
0x62: {  	[sflag:s0] =	ssyncadd.s32 @!p0 s1  }
0x63: {  	[bflag:$0x3] =	sbarrier.arrive $0xFFFF  }
0x64: {  	_ =	shalt  }

</sc_bundles>
